<compile_context>
chip_gen: v7x
topology: tpu7x:2x2x1
jax: 0.10.2.dev20260603
libtpu: 0.0.44.dev20260713+nightly
codegen_flags: <defaults>
</compile_context>

<pallas_src>
import functools

import jax
import jax.numpy as jnp
from jax import lax
from jax.experimental import pallas as pl
from jax.experimental.pallas import tpu as pltpu
from jax.experimental.pallas import tpu_sc as plsc

N = 10000
E = 320000
D_IN = 128
D_H = 256
D_OUT = 128

NC = 2
NS = 16
K = 128
CHUNKS = 2560
E_PAD = CHUNKS * K
CPC = CHUNKS // NC
G = 40
NP = 10240
RPT = NP // NS

_MESH = plsc.VectorSubcoreMesh(
    core_axis_name="c", subcore_axis_name="s", num_cores=NC, num_subcores=NS
)


def _f32(*shape):
    return jax.ShapeDtypeStruct(shape, jnp.float32)


@functools.partial(
    pl.kernel,
    out_type=(_f32(NP, 128), _f32(NP, 128)),
    mesh=_MESH,
    scratch_types=[
        pltpu.VMEM_SHARED((NP, 128), jnp.float32),
        pltpu.VMEM((K, 128), jnp.float32),
        pltpu.VMEM((G, K), jnp.int32),
    ],
)
def _deg_kernel(dst_hbm, ones_hbm, zeros_hbm, p0_hbm, p1_hbm, acc, ones_v, dst_v):
    c = lax.axis_index("c")
    s = lax.axis_index("s")
    row0 = s * RPT
    tile_chunks = CPC // NS
    base = c * CPC + s * tile_chunks
    pltpu.sync_copy(zeros_hbm.at[pl.ds(row0, RPT)], acc.at[pl.ds(row0, RPT)])
    pltpu.sync_copy(ones_hbm, ones_v)
    plsc.subcore_barrier()

    def group(gi, _):
        pltpu.sync_copy(dst_hbm.at[pl.ds(base + gi * G, G)], dst_v)

        def body(j, _):
            pltpu.sync_copy(ones_v, acc.at[dst_v.at[j]], add=True)
            return ()

        lax.fori_loop(0, G, body, (), unroll=False)
        return ()

    lax.fori_loop(0, tile_chunks // G, group, (), unroll=False)
    plsc.subcore_barrier()

    @pl.when(c == 0)
    def _():
        pltpu.sync_copy(acc.at[pl.ds(row0, RPT)], p0_hbm.at[pl.ds(row0, RPT)])

    @pl.when(c == 1)
    def _():
        pltpu.sync_copy(acc.at[pl.ds(row0, RPT)], p1_hbm.at[pl.ds(row0, RPT)])


@functools.partial(
    pl.kernel,
    out_type=(_f32(NP, 128), _f32(NP, 128)),
    mesh=_MESH,
    scratch_types=[
        pltpu.VMEM_SHARED((NP, 128), jnp.float32),
        pltpu.VMEM((G, K), jnp.int32),
        pltpu.VMEM((G, K), jnp.int32),
        pltpu.VMEM((K, 128), jnp.float32),
        pltpu.VMEM((K, 128), jnp.float32),
        pltpu.SemaphoreType.DMA,
        pltpu.SemaphoreType.DMA,
    ],
)
def _agg1_kernel(table_hbm, src_hbm, dst_hbm, zeros_hbm, q0_hbm, q1_hbm,
                 acc, src_v, dst_v, gbuf_a, gbuf_b, sem_a, sem_b):
    c = lax.axis_index("c")
    s = lax.axis_index("s")
    row0 = s * RPT
    tile_chunks = CPC // NS
    base = c * CPC + s * tile_chunks
    pltpu.sync_copy(zeros_hbm.at[pl.ds(row0, RPT)], acc.at[pl.ds(row0, RPT)])
    plsc.subcore_barrier()

    def group(gi, _):
        pltpu.sync_copy(src_hbm.at[pl.ds(base + gi * G, G)], src_v)
        pltpu.sync_copy(dst_hbm.at[pl.ds(base + gi * G, G)], dst_v)

        def pair(j, _):
            da = pltpu.async_copy(table_hbm.at[src_v.at[2 * j]], gbuf_a, sem_a)
            db = pltpu.async_copy(table_hbm.at[src_v.at[2 * j + 1]], gbuf_b, sem_b)
            da.wait()
            pltpu.sync_copy(gbuf_a, acc.at[dst_v.at[2 * j]], add=True)
            db.wait()
            pltpu.sync_copy(gbuf_b, acc.at[dst_v.at[2 * j + 1]], add=True)
            return ()

        lax.fori_loop(0, G // 2, pair, (), unroll=False)
        return ()

    lax.fori_loop(0, tile_chunks // G, group, (), unroll=False)
    plsc.subcore_barrier()

    @pl.when(c == 0)
    def _():
        pltpu.sync_copy(acc.at[pl.ds(row0, RPT)], q0_hbm.at[pl.ds(row0, RPT)])

    @pl.when(c == 1)
    def _():
        pltpu.sync_copy(acc.at[pl.ds(row0, RPT)], q1_hbm.at[pl.ds(row0, RPT)])


@functools.partial(
    pl.kernel,
    out_type=(_f32(NP, 128), _f32(NP, 128)),
    mesh=_MESH,
    scratch_types=[
        pltpu.VMEM_SHARED((NP, 128), jnp.float32),
        pltpu.VMEM((G, K), jnp.int32),
        pltpu.VMEM((G, K), jnp.int32),
        pltpu.VMEM((K, 128), jnp.float32),
        pltpu.VMEM((K, 128), jnp.float32),
        pltpu.SemaphoreType.DMA,
        pltpu.SemaphoreType.DMA,
    ],
)
def _agg2_kernel(ta_hbm, tb_hbm, src_hbm, dst_hbm, zeros_hbm, r0_hbm, r1_hbm,
                 acc, src_v, dst_v, gbuf_a, gbuf_b, sem_a, sem_b):
    c = lax.axis_index("c")
    s = lax.axis_index("s")
    row0 = s * RPT
    tile_chunks = CHUNKS // NS
    base = s * tile_chunks
    pltpu.sync_copy(zeros_hbm.at[pl.ds(row0, RPT)], acc.at[pl.ds(row0, RPT)])
    plsc.subcore_barrier()

    def make_group(table):
        def group(gi, _):
            pltpu.sync_copy(src_hbm.at[pl.ds(base + gi * G, G)], src_v)
            pltpu.sync_copy(dst_hbm.at[pl.ds(base + gi * G, G)], dst_v)

            def pair(j, _):
                da = pltpu.async_copy(table.at[src_v.at[2 * j]], gbuf_a, sem_a)
                db = pltpu.async_copy(table.at[src_v.at[2 * j + 1]], gbuf_b, sem_b)
                da.wait()
                pltpu.sync_copy(gbuf_a, acc.at[dst_v.at[2 * j]], add=True)
                db.wait()
                pltpu.sync_copy(gbuf_b, acc.at[dst_v.at[2 * j + 1]], add=True)
                return ()

            lax.fori_loop(0, G // 2, pair, (), unroll=False)
            return ()

        return group

    @pl.when(c == 0)
    def _():
        lax.fori_loop(0, tile_chunks // G, make_group(ta_hbm), (), unroll=False)

    @pl.when(c == 1)
    def _():
        lax.fori_loop(0, tile_chunks // G, make_group(tb_hbm), (), unroll=False)

    plsc.subcore_barrier()

    @pl.when(c == 0)
    def _():
        pltpu.sync_copy(acc.at[pl.ds(row0, RPT)], r0_hbm.at[pl.ds(row0, RPT)])

    @pl.when(c == 1)
    def _():
        pltpu.sync_copy(acc.at[pl.ds(row0, RPT)], r1_hbm.at[pl.ds(row0, RPT)])


BLK = 400
GRID = N // BLK


def _dinv_of(p0, p1):
    deg = 1.0 + p0[:, 0:1] + p1[:, 0:1]
    return lax.rsqrt(deg)


def _k2_body(x_ref, p0_ref, p1_ref, xp_ref):
    dinv = _dinv_of(p0_ref[...], p1_ref[...])
    xp_ref[...] = x_ref[...] * dinv


def _k4_body(q0_ref, q1_ref, xp_ref, p0_ref, p1_ref, w1_ref, b1_ref,
             ha_ref, hb_ref):
    dinv = _dinv_of(p0_ref[...], p1_ref[...])
    u = dinv * (q0_ref[...] + q1_ref[...] + xp_ref[...])
    h1 = jnp.maximum(
        jnp.dot(u, w1_ref[...], preferred_element_type=jnp.float32)
        + b1_ref[...], 0.0)
    h1s = dinv * h1
    ha_ref[...] = h1s[:, :128]
    hb_ref[...] = h1s[:, 128:]


def _k6_body(r0_ref, r1_ref, ha_ref, hb_ref, p0_ref, p1_ref,
             w2_ref, b2_ref, wfc_ref, bfc_ref, out_ref):
    dinv = _dinv_of(p0_ref[...], p1_ref[...])
    va = dinv * (r0_ref[...] + ha_ref[...])
    vb = dinv * (r1_ref[...] + hb_ref[...])
    v = jnp.concatenate([va, vb], axis=1)
    h2 = jnp.maximum(
        jnp.dot(v, w2_ref[...], preferred_element_type=jnp.float32)
        + b2_ref[...], 0.0)
    out_ref[...] = (
        jnp.dot(h2, wfc_ref[...], preferred_element_type=jnp.float32)
        + bfc_ref[...])


def _row_spec(cols):
    return pl.BlockSpec((BLK, cols), lambda i: (i, 0))


def _full_spec(r, cols):
    return pl.BlockSpec((r, cols), lambda i: (0, 0))


def kernel(x, edge_index, W1, b1, W2, b2, Wfc, bfc):
    npad = E_PAD - E
    pad_src = (jnp.arange(npad, dtype=jnp.int32) * 37) % N
    pad_dst = N + (jnp.arange(npad, dtype=jnp.int32) % (NP - N))
    src2d = jnp.concatenate([edge_index[0], pad_src]).reshape(CHUNKS, K)
    dst2d = jnp.concatenate([edge_index[1], pad_dst]).reshape(CHUNKS, K)
    ones128 = jnp.ones((K, 128), jnp.float32)
    zeros128 = jnp.zeros((NP, 128), jnp.float32)

    p0, p1 = _deg_kernel(dst2d, ones128, zeros128)

    xp = pl.pallas_call(
        _k2_body,
        grid=(GRID,),
        in_specs=[_row_spec(128), _row_spec(128), _row_spec(128)],
        out_specs=_row_spec(128),
        out_shape=_f32(N, 128),
    )(x, p0, p1)

    q0, q1 = _agg1_kernel(xp, src2d, dst2d, zeros128)

    h1a, h1b = pl.pallas_call(
        _k4_body,
        grid=(GRID,),
        in_specs=[_row_spec(128), _row_spec(128), _row_spec(128),
                  _row_spec(128), _row_spec(128),
                  _full_spec(128, 256), _full_spec(1, 256)],
        out_specs=[_row_spec(128), _row_spec(128)],
        out_shape=[_f32(N, 128), _f32(N, 128)],
    )(q0, q1, xp, p0, p1, W1, b1.reshape(1, D_H))

    r0, r1 = _agg2_kernel(h1a, h1b, src2d, dst2d, zeros128)

    out = pl.pallas_call(
        _k6_body,
        grid=(GRID,),
        in_specs=[_row_spec(128), _row_spec(128), _row_spec(128),
                  _row_spec(128), _row_spec(128), _row_spec(128),
                  _full_spec(256, 256), _full_spec(1, 256),
                  _full_spec(256, 128), _full_spec(1, 128)],
        out_specs=_row_spec(128),
        out_shape=_f32(N, D_OUT),
    )(r0, r1, h1a, h1b, p0, p1, W2, b2.reshape(1, D_H),
      Wfc, bfc.reshape(1, D_OUT))
    return out

# --- scband reference (transcript-rebuilt; emitter-appended) ---
"""Pipeline reference for scband-gnnmodel-51445118272098 (READ-ONLY COPY).

The authoritative reference and input builder live on the scoring server;
editing this copy changes nothing except your own understanding.
"""

import jax, jax.numpy as jnp
import numpy as np

N = 10000
E = 320000
D_IN = 128
D_H = 256
D_OUT = 128


def setup_inputs(seed: int = 0) -> dict:
    key = jax.random.key(seed)
    ks = jax.random.split(key, 9)
    x = jax.random.normal(ks[0], (N, D_IN), dtype=jnp.float32)
    edge_index = jax.random.randint(ks[1], (2, E), 0, N, dtype=jnp.int32)
    # GCNConv layer 1 params (glorot-ish scaling)
    W1 = jax.random.normal(ks[2], (D_IN, D_H), dtype=jnp.float32) * (1.0 / np.sqrt(D_IN))
    b1 = jnp.zeros((D_H,), dtype=jnp.float32)
    # GCNConv layer 2 params
    W2 = jax.random.normal(ks[3], (D_H, D_H), dtype=jnp.float32) * (1.0 / np.sqrt(D_H))
    b2 = jnp.zeros((D_H,), dtype=jnp.float32)
    # Final linear layer params
    Wfc = jax.random.normal(ks[4], (D_H, D_OUT), dtype=jnp.float32) * (1.0 / np.sqrt(D_H))
    bfc = jnp.zeros((D_OUT,), dtype=jnp.float32)
    return {"x": x, "edge_index": edge_index, "W1": W1, "b1": b1, "W2": W2, "b2": b2, "Wfc": Wfc, "bfc": bfc}


def _gcn_conv(x, edge_index, W, b):
    # Faithful GCNConv: add self-loops, symmetric degree normalization,
    # linear transform, gather-scale-scatter_add aggregation, bias.
    src = edge_index[0]
    dst = edge_index[1]
    loop = jnp.arange(N, dtype=edge_index.dtype)
    src_f = jnp.concatenate([src, loop])
    dst_f = jnp.concatenate([dst, loop])
    deg = jnp.zeros((N,), dtype=jnp.float32).at[dst_f].add(1.0)
    dinv = jnp.where(deg > 0, jax.lax.rsqrt(jnp.maximum(deg, 1e-12)), 0.0)
    norm = dinv[src_f] * dinv[dst_f]
    h = x @ W
    msg = jnp.take(h, src_f, axis=0) * norm[:, None]
    out = jnp.zeros((N, h.shape[1]), dtype=jnp.float32).at[dst_f].add(msg)
    return out + b


def reference(x, edge_index, W1, b1, W2, b2, Wfc, bfc):
    h = jax.nn.relu(_gcn_conv(x, edge_index, W1, b1))
    h = jax.nn.relu(_gcn_conv(h, edge_index, W2, b2))
    return h @ Wfc + bfc

if __name__ == "__main__":
    import jax
    _d = setup_inputs()
    print(jax.jit(kernel)(*tuple(_d.values())))

</pallas_src>

<mosaic_0001>
#map = affine_map<(d0, d1) -> (0, 0)>
module attributes {stable_mosaic.version = 14 : i64} {
  func.func @_agg2_kernel(%arg0: i32, %arg1: i32, %arg2: memref<10000x128xf32, #tpu.memory_space<hbm>>, %arg3: memref<10000x128xf32, #tpu.memory_space<hbm>>, %arg4: memref<2560x128xi32, #tpu.memory_space<hbm>>, %arg5: memref<2560x128xi32, #tpu.memory_space<hbm>>, %arg6: memref<10240x128xf32, #tpu.memory_space<hbm>>, %arg7: memref<10240x128xf32, #tpu.memory_space<hbm>>, %arg8: memref<10240x128xf32, #tpu.memory_space<hbm>>, %arg9: memref<10240x128xf32, #tpu.memory_space<vmem_shared>>, %arg10: memref<40x128xi32, #tpu.memory_space<vmem>>, %arg11: memref<40x128xi32, #tpu.memory_space<vmem>>, %arg12: memref<128x128xf32, #tpu.memory_space<vmem>>, %arg13: memref<128x128xf32, #tpu.memory_space<vmem>>, %arg14: memref<!tpu.dma_semaphore, #tpu.memory_space<semaphore_mem>>, %arg15: memref<!tpu.dma_semaphore, #tpu.memory_space<semaphore_mem>>) attributes {dimension_semantics = [#tpu.dimension_semantics<core_parallel>, #tpu.dimension_semantics<subcore_parallel>], iteration_bounds = array<i64: 2, 16>, scalar_prefetch = 0 : i64, scratch_operands = 7 : i64, tpu.core_type = #tpu.core_type<sc_vector_subcore>, window_params = [{transform_indices = #map}, {transform_indices = #map}, {transform_indices = #map}, {transform_indices = #map}, {transform_indices = #map}, {transform_indices = #map}, {transform_indices = #map}]} {
    %mul3A = arith.constant 640 : i32
    %mul3A_0 = arith.muli %arg1, %mul3A : i32
    %mul3A_1 = arith.constant 160 : i32
    %mul3A_2 = arith.muli %arg1, %mul3A_1 : i32
    "tpu.region"() ({
      %run_scoped3A = tpu.sem_alloc : memref<!tpu.dma_semaphore, #tpu.memory_space<semaphore_mem>>
      %dma_start3A = arith.constant 0 : i32
      %dma_start3A_21 = tpu.memref_slice %arg9[%mul3A_0, %dma_start3A] : memref<10240x128xf32, #tpu.memory_space<vmem_shared>> -> memref<640x128xf32, #tpu.memory_space<vmem_shared>>
      %dma_start3A_22 = arith.constant 0 : i32
      %dma_start3A_23 = tpu.memref_slice %arg6[%mul3A_0, %dma_start3A_22] : memref<10240x128xf32, #tpu.memory_space<hbm>> -> memref<640x128xf32, #tpu.memory_space<hbm>>
      tpu.enqueue_dma source(%dma_start3A_23 : memref<640x128xf32, #tpu.memory_space<hbm>>) target(%dma_start3A_21 : memref<640x128xf32, #tpu.memory_space<vmem_shared>>) target_semaphore(%run_scoped3A : memref<!tpu.dma_semaphore, #tpu.memory_space<semaphore_mem>>)
      %dma_wait3A = arith.constant 0 : i32
      %dma_wait3A_24 = tpu.memref_slice %arg9[%mul3A_0, %dma_wait3A] : memref<10240x128xf32, #tpu.memory_space<vmem_shared>> -> memref<640x128xf32, #tpu.memory_space<vmem_shared>>
      %dma_wait3A_25 = arith.constant 0 : i32
      %dma_wait3A_26 = tpu.memref_slice %arg6[%mul3A_0, %dma_wait3A_25] : memref<10240x128xf32, #tpu.memory_space<hbm>> -> memref<640x128xf32, #tpu.memory_space<hbm>>
      tpu.wait_dma2 semaphore(%run_scoped3A : memref<!tpu.dma_semaphore, #tpu.memory_space<semaphore_mem>>) src(%dma_wait3A_26 : memref<640x128xf32, #tpu.memory_space<hbm>>) dst(%dma_wait3A_24 : memref<640x128xf32, #tpu.memory_space<vmem_shared>>)
      tpu.yield
    }) : () -> ()
    %barrier3A = arith.constant 0 : index
    tpu.barrier barrier_id(%barrier3A)
    %eq3A = arith.constant 0 : i32
    %eq3A_3 = arith.cmpi eq, %arg0, %eq3A : i32
    %convert_element_type3A = arith.extui %eq3A_3 : i1 to i32
    %cond3A = arith.constant 0 : i32
    %cond3A_4 = arith.cmpi ne, %convert_element_type3A, %cond3A : i32
    scf.if %cond3A_4 {
      %scan3A = arith.constant 0 : i32
      %scan3A_21 = arith.constant 4 : i32
      %scan3A_22 = arith.addi %scan3A, %scan3A_21 : i32
      %scan3A_23 = arith.constant 1 : i32
      scf.for %scan3A_25 = %scan3A to %scan3A_22 step %scan3A_23  : i32 {
        %mul3A_26 = arith.constant 40 : i32
        %mul3A_27 = arith.muli %scan3A_25, %mul3A_26 : i32
        %add3A = arith.addi %mul3A_2, %mul3A_27 : i32
        "tpu.region"() ({
          %run_scoped3A = tpu.sem_alloc : memref<!tpu.dma_semaphore, #tpu.memory_space<semaphore_mem>>
          %dma_start3A = arith.constant 0 : i32
          %dma_start3A_36 = tpu.memref_slice %arg4[%add3A, %dma_start3A] : memref<2560x128xi32, #tpu.memory_space<hbm>> -> memref<40x128xi32, #tpu.memory_space<hbm>>
          %dma_start3A_37 = arith.constant 0 : i32
          %dma_start3A_38 = tpu.memref_slice %arg4[%add3A, %dma_start3A_37] : memref<2560x128xi32, #tpu.memory_space<hbm>> -> memref<40x128xi32, #tpu.memory_space<hbm>>
          tpu.enqueue_dma source(%dma_start3A_38 : memref<40x128xi32, #tpu.memory_space<hbm>>) target(%arg10 : memref<40x128xi32, #tpu.memory_space<vmem>>) target_semaphore(%run_scoped3A : memref<!tpu.dma_semaphore, #tpu.memory_space<semaphore_mem>>)
          %dma_wait3A = arith.constant 0 : i32
          %dma_wait3A_39 = tpu.memref_slice %arg4[%add3A, %dma_wait3A] : memref<2560x128xi32, #tpu.memory_space<hbm>> -> memref<40x128xi32, #tpu.memory_space<hbm>>
          %dma_wait3A_40 = arith.constant 0 : i32
          %dma_wait3A_41 = tpu.memref_slice %arg4[%add3A, %dma_wait3A_40] : memref<2560x128xi32, #tpu.memory_space<hbm>> -> memref<40x128xi32, #tpu.memory_space<hbm>>
          tpu.wait_dma2 semaphore(%run_scoped3A : memref<!tpu.dma_semaphore, #tpu.memory_space<semaphore_mem>>) src(%dma_wait3A_41 : memref<40x128xi32, #tpu.memory_space<hbm>>) dst(%arg10 : memref<40x128xi32, #tpu.memory_space<vmem>>)
          tpu.yield
        }) : () -> ()
        %mul3A_28 = arith.constant 40 : i32
        %mul3A_29 = arith.muli %scan3A_25, %mul3A_28 : i32
        %add3A_30 = arith.addi %mul3A_2, %mul3A_29 : i32
        "tpu.region"() ({
          %run_scoped3A = tpu.sem_alloc : memref<!tpu.dma_semaphore, #tpu.memory_space<semaphore_mem>>
          %dma_start3A = arith.constant 0 : i32
          %dma_start3A_36 = tpu.memref_slice %arg5[%add3A_30, %dma_start3A] : memref<2560x128xi32, #tpu.memory_space<hbm>> -> memref<40x128xi32, #tpu.memory_space<hbm>>
          %dma_start3A_37 = arith.constant 0 : i32
          %dma_start3A_38 = tpu.memref_slice %arg5[%add3A_30, %dma_start3A_37] : memref<2560x128xi32, #tpu.memory_space<hbm>> -> memref<40x128xi32, #tpu.memory_space<hbm>>
          tpu.enqueue_dma source(%dma_start3A_38 : memref<40x128xi32, #tpu.memory_space<hbm>>) target(%arg11 : memref<40x128xi32, #tpu.memory_space<vmem>>) target_semaphore(%run_scoped3A : memref<!tpu.dma_semaphore, #tpu.memory_space<semaphore_mem>>)
          %dma_wait3A = arith.constant 0 : i32
          %dma_wait3A_39 = tpu.memref_slice %arg5[%add3A_30, %dma_wait3A] : memref<2560x128xi32, #tpu.memory_space<hbm>> -> memref<40x128xi32, #tpu.memory_space<hbm>>
          %dma_wait3A_40 = arith.constant 0 : i32
          %dma_wait3A_41 = tpu.memref_slice %arg5[%add3A_30, %dma_wait3A_40] : memref<2560x128xi32, #tpu.memory_space<hbm>> -> memref<40x128xi32, #tpu.memory_space<hbm>>
          tpu.wait_dma2 semaphore(%run_scoped3A : memref<!tpu.dma_semaphore, #tpu.memory_space<semaphore_mem>>) src(%dma_wait3A_41 : memref<40x128xi32, #tpu.memory_space<hbm>>) dst(%arg11 : memref<40x128xi32, #tpu.memory_space<vmem>>)
          tpu.yield
        }) : () -> ()
        %scan3A_31 = arith.constant 0 : i32
        %scan3A_32 = arith.constant 20 : i32
        %scan3A_33 = arith.addi %scan3A_31, %scan3A_32 : i32
        %scan3A_34 = arith.constant 1 : i32
        scf.for %scan3A_36 = %scan3A_31 to %scan3A_33 step %scan3A_34  : i32 {
          %mul3A_37 = arith.constant 2 : i32
          %mul3A_38 = arith.muli %mul3A_37, %scan3A_36 : i32
          %dma_start3A = arith.constant 0 : i32
          %dma_start3A_39 = tpu.memref_slice %arg10[%mul3A_38, %dma_start3A] : memref<40x128xi32, #tpu.memory_space<vmem>> -> memref<1x128xi32, #tpu.memory_space<vmem>>
          %dma_start3A_40 = tpu.memref_squeeze %dma_start3A_39 : memref<1x128xi32, #tpu.memory_space<vmem>> -> memref<128xi32, #tpu.memory_space<vmem>>
          %dma_start3A_41 = arith.constant 0 : i32
          %dma_start3A_42 = arith.constant 0 : i32
          %dma_start3A_43 = tpu.memref_slice %arg2[%dma_start3A_41, %dma_start3A_42] : memref<10000x128xf32, #tpu.memory_space<hbm>> -> memref<10000x128xf32, #tpu.memory_space<hbm>>
          tpu.enqueue_indirect_dma source(%dma_start3A_43 : memref<10000x128xf32, #tpu.memory_space<hbm>>) target(%arg12 : memref<128x128xf32, #tpu.memory_space<vmem>>) offsets(%dma_start3A_40 : memref<128xi32, #tpu.memory_space<vmem>>) semaphore(%arg14 : memref<!tpu.dma_semaphore, #tpu.memory_space<semaphore_mem>>)
          %mul3A_44 = arith.constant 2 : i32
          %mul3A_45 = arith.muli %mul3A_44, %scan3A_36 : i32
          %add3A_46 = arith.constant 1 : i32
          %add3A_47 = arith.addi %mul3A_45, %add3A_46 : i32
          %dma_start3A_48 = arith.constant 0 : i32
          %dma_start3A_49 = tpu.memref_slice %arg10[%add3A_47, %dma_start3A_48] : memref<40x128xi32, #tpu.memory_space<vmem>> -> memref<1x128xi32, #tpu.memory_space<vmem>>
          %dma_start3A_50 = tpu.memref_squeeze %dma_start3A_49 : memref<1x128xi32, #tpu.memory_space<vmem>> -> memref<128xi32, #tpu.memory_space<vmem>>
          %dma_start3A_51 = arith.constant 0 : i32
          %dma_start3A_52 = arith.constant 0 : i32
          %dma_start3A_53 = tpu.memref_slice %arg2[%dma_start3A_51, %dma_start3A_52] : memref<10000x128xf32, #tpu.memory_space<hbm>> -> memref<10000x128xf32, #tpu.memory_space<hbm>>
          tpu.enqueue_indirect_dma source(%dma_start3A_53 : memref<10000x128xf32, #tpu.memory_space<hbm>>) target(%arg13 : memref<128x128xf32, #tpu.memory_space<vmem>>) offsets(%dma_start3A_50 : memref<128xi32, #tpu.memory_space<vmem>>) semaphore(%arg15 : memref<!tpu.dma_semaphore, #tpu.memory_space<semaphore_mem>>)
          %dma_wait3A = arith.constant 0 : i32
          %dma_wait3A_54 = tpu.memref_slice %arg10[%mul3A_38, %dma_wait3A] : memref<40x128xi32, #tpu.memory_space<vmem>> -> memref<1x128xi32, #tpu.memory_space<vmem>>
          %dma_wait3A_55 = tpu.memref_squeeze %dma_wait3A_54 : memref<1x128xi32, #tpu.memory_space<vmem>> -> memref<128xi32, #tpu.memory_space<vmem>>
          %dma_wait3A_56 = arith.constant 0 : i32
          %dma_wait3A_57 = arith.constant 0 : i32
          %dma_wait3A_58 = tpu.memref_slice %arg2[%dma_wait3A_56, %dma_wait3A_57] : memref<10000x128xf32, #tpu.memory_space<hbm>> -> memref<10000x128xf32, #tpu.memory_space<hbm>>
          tpu.wait_indirect_dma semaphore(%arg14 : memref<!tpu.dma_semaphore, #tpu.memory_space<semaphore_mem>>) src(%dma_wait3A_58 : memref<10000x128xf32, #tpu.memory_space<hbm>>) dst(%arg12 : memref<128x128xf32, #tpu.memory_space<vmem>>)
          %mul3A_59 = arith.constant 2 : i32
          %mul3A_60 = arith.muli %mul3A_59, %scan3A_36 : i32
          "tpu.region"() ({
            %run_scoped3A = tpu.sem_alloc : memref<!tpu.dma_semaphore, #tpu.memory_space<semaphore_mem>>
            %dma_start3A_71 = arith.constant 0 : i32
            %dma_start3A_72 = tpu.memref_slice %arg11[%mul3A_60, %dma_start3A_71] : memref<40x128xi32, #tpu.memory_space<vmem>> -> memref<1x128xi32, #tpu.memory_space<vmem>>
            %dma_start3A_73 = tpu.memref_squeeze %dma_start3A_72 : memref<1x128xi32, #tpu.memory_space<vmem>> -> memref<128xi32, #tpu.memory_space<vmem>>
            %dma_start3A_74 = arith.constant 0 : i32
            %dma_start3A_75 = arith.constant 0 : i32
            %dma_start3A_76 = tpu.memref_slice %arg9[%dma_start3A_74, %dma_start3A_75] : memref<10240x128xf32, #tpu.memory_space<vmem_shared>> -> memref<10240x128xf32, #tpu.memory_space<vmem_shared>>
            tpu.enqueue_indirect_dma source(%arg12 : memref<128x128xf32, #tpu.memory_space<vmem>>) target(%dma_start3A_76 : memref<10240x128xf32, #tpu.memory_space<vmem_shared>>) offsets(%dma_start3A_73 : memref<128xi32, #tpu.memory_space<vmem>>) semaphore(%run_scoped3A : memref<!tpu.dma_semaphore, #tpu.memory_space<semaphore_mem>>) {add = true}
            %dma_wait3A_77 = arith.constant 0 : i32
            %dma_wait3A_78 = tpu.memref_slice %arg11[%mul3A_60, %dma_wait3A_77] : memref<40x128xi32, #tpu.memory_space<vmem>> -> memref<1x128xi32, #tpu.memory_space<vmem>>
            %dma_wait3A_79 = tpu.memref_squeeze %dma_wait3A_78 : memref<1x128xi32, #tpu.memory_space<vmem>> -> memref<128xi32, #tpu.memory_space<vmem>>
            %dma_wait3A_80 = arith.constant 0 : i32
            %dma_wait3A_81 = arith.constant 0 : i32
            %dma_wait3A_82 = tpu.memref_slice %arg9[%dma_wait3A_80, %dma_wait3A_81] : memref<10240x128xf32, #tpu.memory_space<vmem_shared>> -> memref<10240x128xf32, #tpu.memory_space<vmem_shared>>
            tpu.wait_indirect_dma semaphore(%run_scoped3A : memref<!tpu.dma_semaphore, #tpu.memory_space<semaphore_mem>>) src(%arg12 : memref<128x128xf32, #tpu.memory_space<vmem>>) dst(%dma_wait3A_82 : memref<10240x128xf32, #tpu.memory_space<vmem_shared>>)
            tpu.yield
          }) : () -> ()
          %dma_wait3A_61 = arith.constant 0 : i32
          %dma_wait3A_62 = tpu.memref_slice %arg10[%add3A_47, %dma_wait3A_61] : memref<40x128xi32, #tpu.memory_space<vmem>> -> memref<1x128xi32, #tpu.memory_space<vmem>>
          %dma_wait3A_63 = tpu.memref_squeeze %dma_wait3A_62 : memref<1x128xi32, #tpu.memory_space<vmem>> -> memref<128xi32, #tpu.memory_space<vmem>>
          %dma_wait3A_64 = arith.constant 0 : i32
          %dma_wait3A_65 = arith.constant 0 : i32
          %dma_wait3A_66 = tpu.memref_slice %arg2[%dma_wait3A_64, %dma_wait3A_65] : memref<10000x128xf32, #tpu.memory_space<hbm>> -> memref<10000x128xf32, #tpu.memory_space<hbm>>
          tpu.wait_indirect_dma semaphore(%arg15 : memref<!tpu.dma_semaphore, #tpu.memory_space<semaphore_mem>>) src(%dma_wait3A_66 : memref<10000x128xf32, #tpu.memory_space<hbm>>) dst(%arg13 : memref<128x128xf32, #tpu.memory_space<vmem>>)
          %mul3A_67 = arith.constant 2 : i32
          %mul3A_68 = arith.muli %mul3A_67, %scan3A_36 : i32
          %add3A_69 = arith.constant 1 : i32
          %add3A_70 = arith.addi %mul3A_68, %add3A_69 : i32
          "tpu.region"() ({
            %run_scoped3A = tpu.sem_alloc : memref<!tpu.dma_semaphore, #tpu.memory_space<semaphore_mem>>
            %dma_start3A_71 = arith.constant 0 : i32
            %dma_start3A_72 = tpu.memref_slice %arg11[%add3A_70, %dma_start3A_71] : memref<40x128xi32, #tpu.memory_space<vmem>> -> memref<1x128xi32, #tpu.memory_space<vmem>>
            %dma_start3A_73 = tpu.memref_squeeze %dma_start3A_72 : memref<1x128xi32, #tpu.memory_space<vmem>> -> memref<128xi32, #tpu.memory_space<vmem>>
            %dma_start3A_74 = arith.constant 0 : i32
            %dma_start3A_75 = arith.constant 0 : i32
            %dma_start3A_76 = tpu.memref_slice %arg9[%dma_start3A_74, %dma_start3A_75] : memref<10240x128xf32, #tpu.memory_space<vmem_shared>> -> memref<10240x128xf32, #tpu.memory_space<vmem_shared>>
            tpu.enqueue_indirect_dma source(%arg13 : memref<128x128xf32, #tpu.memory_space<vmem>>) target(%dma_start3A_76 : memref<10240x128xf32, #tpu.memory_space<vmem_shared>>) offsets(%dma_start3A_73 : memref<128xi32, #tpu.memory_space<vmem>>) semaphore(%run_scoped3A : memref<!tpu.dma_semaphore, #tpu.memory_space<semaphore_mem>>) {add = true}
            %dma_wait3A_77 = arith.constant 0 : i32
            %dma_wait3A_78 = tpu.memref_slice %arg11[%add3A_70, %dma_wait3A_77] : memref<40x128xi32, #tpu.memory_space<vmem>> -> memref<1x128xi32, #tpu.memory_space<vmem>>
            %dma_wait3A_79 = tpu.memref_squeeze %dma_wait3A_78 : memref<1x128xi32, #tpu.memory_space<vmem>> -> memref<128xi32, #tpu.memory_space<vmem>>
            %dma_wait3A_80 = arith.constant 0 : i32
            %dma_wait3A_81 = arith.constant 0 : i32
            %dma_wait3A_82 = tpu.memref_slice %arg9[%dma_wait3A_80, %dma_wait3A_81] : memref<10240x128xf32, #tpu.memory_space<vmem_shared>> -> memref<10240x128xf32, #tpu.memory_space<vmem_shared>>
            tpu.wait_indirect_dma semaphore(%run_scoped3A : memref<!tpu.dma_semaphore, #tpu.memory_space<semaphore_mem>>) src(%arg13 : memref<128x128xf32, #tpu.memory_space<vmem>>) dst(%dma_wait3A_82 : memref<10240x128xf32, #tpu.memory_space<vmem_shared>>)
            tpu.yield
          }) : () -> ()
        }
        %scan3A_35 = arith.constant 20 : i32
      }
      %scan3A_24 = arith.constant 4 : i32
    } else {
    }
    %eq3A_5 = arith.constant 1 : i32
    %eq3A_6 = arith.cmpi eq, %arg0, %eq3A_5 : i32
    %convert_element_type3A_7 = arith.extui %eq3A_6 : i1 to i32
    %cond3A_8 = arith.constant 0 : i32
    %cond3A_9 = arith.cmpi ne, %convert_element_type3A_7, %cond3A_8 : i32
    scf.if %cond3A_9 {
      %scan3A = arith.constant 0 : i32
      %scan3A_21 = arith.constant 4 : i32
      %scan3A_22 = arith.addi %scan3A, %scan3A_21 : i32
      %scan3A_23 = arith.constant 1 : i32
      scf.for %scan3A_25 = %scan3A to %scan3A_22 step %scan3A_23  : i32 {
        %mul3A_26 = arith.constant 40 : i32
        %mul3A_27 = arith.muli %scan3A_25, %mul3A_26 : i32
        %add3A = arith.addi %mul3A_2, %mul3A_27 : i32
        "tpu.region"() ({
          %run_scoped3A = tpu.sem_alloc : memref<!tpu.dma_semaphore, #tpu.memory_space<semaphore_mem>>
          %dma_start3A = arith.constant 0 : i32
          %dma_start3A_36 = tpu.memref_slice %arg4[%add3A, %dma_start3A] : memref<2560x128xi32, #tpu.memory_space<hbm>> -> memref<40x128xi32, #tpu.memory_space<hbm>>
          %dma_start3A_37 = arith.constant 0 : i32
          %dma_start3A_38 = tpu.memref_slice %arg4[%add3A, %dma_start3A_37] : memref<2560x128xi32, #tpu.memory_space<hbm>> -> memref<40x128xi32, #tpu.memory_space<hbm>>
          tpu.enqueue_dma source(%dma_start3A_38 : memref<40x128xi32, #tpu.memory_space<hbm>>) target(%arg10 : memref<40x128xi32, #tpu.memory_space<vmem>>) target_semaphore(%run_scoped3A : memref<!tpu.dma_semaphore, #tpu.memory_space<semaphore_mem>>)
          %dma_wait3A = arith.constant 0 : i32
          %dma_wait3A_39 = tpu.memref_slice %arg4[%add3A, %dma_wait3A] : memref<2560x128xi32, #tpu.memory_space<hbm>> -> memref<40x128xi32, #tpu.memory_space<hbm>>
          %dma_wait3A_40 = arith.constant 0 : i32
          %dma_wait3A_41 = tpu.memref_slice %arg4[%add3A, %dma_wait3A_40] : memref<2560x128xi32, #tpu.memory_space<hbm>> -> memref<40x128xi32, #tpu.memory_space<hbm>>
          tpu.wait_dma2 semaphore(%run_scoped3A : memref<!tpu.dma_semaphore, #tpu.memory_space<semaphore_mem>>) src(%dma_wait3A_41 : memref<40x128xi32, #tpu.memory_space<hbm>>) dst(%arg10 : memref<40x128xi32, #tpu.memory_space<vmem>>)
          tpu.yield
        }) : () -> ()
        %mul3A_28 = arith.constant 40 : i32
        %mul3A_29 = arith.muli %scan3A_25, %mul3A_28 : i32
        %add3A_30 = arith.addi %mul3A_2, %mul3A_29 : i32
        "tpu.region"() ({
          %run_scoped3A = tpu.sem_alloc : memref<!tpu.dma_semaphore, #tpu.memory_space<semaphore_mem>>
          %dma_start3A = arith.constant 0 : i32
          %dma_start3A_36 = tpu.memref_slice %arg5[%add3A_30, %dma_start3A] : memref<2560x128xi32, #tpu.memory_space<hbm>> -> memref<40x128xi32, #tpu.memory_space<hbm>>
          %dma_start3A_37 = arith.constant 0 : i32
          %dma_start3A_38 = tpu.memref_slice %arg5[%add3A_30, %dma_start3A_37] : memref<2560x128xi32, #tpu.memory_space<hbm>> -> memref<40x128xi32, #tpu.memory_space<hbm>>
          tpu.enqueue_dma source(%dma_start3A_38 : memref<40x128xi32, #tpu.memory_space<hbm>>) target(%arg11 : memref<40x128xi32, #tpu.memory_space<vmem>>) target_semaphore(%run_scoped3A : memref<!tpu.dma_semaphore, #tpu.memory_space<semaphore_mem>>)
          %dma_wait3A = arith.constant 0 : i32
          %dma_wait3A_39 = tpu.memref_slice %arg5[%add3A_30, %dma_wait3A] : memref<2560x128xi32, #tpu.memory_space<hbm>> -> memref<40x128xi32, #tpu.memory_space<hbm>>
          %dma_wait3A_40 = arith.constant 0 : i32
          %dma_wait3A_41 = tpu.memref_slice %arg5[%add3A_30, %dma_wait3A_40] : memref<2560x128xi32, #tpu.memory_space<hbm>> -> memref<40x128xi32, #tpu.memory_space<hbm>>
          tpu.wait_dma2 semaphore(%run_scoped3A : memref<!tpu.dma_semaphore, #tpu.memory_space<semaphore_mem>>) src(%dma_wait3A_41 : memref<40x128xi32, #tpu.memory_space<hbm>>) dst(%arg11 : memref<40x128xi32, #tpu.memory_space<vmem>>)
          tpu.yield
        }) : () -> ()
        %scan3A_31 = arith.constant 0 : i32
        %scan3A_32 = arith.constant 20 : i32
        %scan3A_33 = arith.addi %scan3A_31, %scan3A_32 : i32
        %scan3A_34 = arith.constant 1 : i32
        scf.for %scan3A_36 = %scan3A_31 to %scan3A_33 step %scan3A_34  : i32 {
          %mul3A_37 = arith.constant 2 : i32
          %mul3A_38 = arith.muli %mul3A_37, %scan3A_36 : i32
          %dma_start3A = arith.constant 0 : i32
          %dma_start3A_39 = tpu.memref_slice %arg10[%mul3A_38, %dma_start3A] : memref<40x128xi32, #tpu.memory_space<vmem>> -> memref<1x128xi32, #tpu.memory_space<vmem>>
          %dma_start3A_40 = tpu.memref_squeeze %dma_start3A_39 : memref<1x128xi32, #tpu.memory_space<vmem>> -> memref<128xi32, #tpu.memory_space<vmem>>
          %dma_start3A_41 = arith.constant 0 : i32
          %dma_start3A_42 = arith.constant 0 : i32
          %dma_start3A_43 = tpu.memref_slice %arg3[%dma_start3A_41, %dma_start3A_42] : memref<10000x128xf32, #tpu.memory_space<hbm>> -> memref<10000x128xf32, #tpu.memory_space<hbm>>
          tpu.enqueue_indirect_dma source(%dma_start3A_43 : memref<10000x128xf32, #tpu.memory_space<hbm>>) target(%arg12 : memref<128x128xf32, #tpu.memory_space<vmem>>) offsets(%dma_start3A_40 : memref<128xi32, #tpu.memory_space<vmem>>) semaphore(%arg14 : memref<!tpu.dma_semaphore, #tpu.memory_space<semaphore_mem>>)
          %mul3A_44 = arith.constant 2 : i32
          %mul3A_45 = arith.muli %mul3A_44, %scan3A_36 : i32
          %add3A_46 = arith.constant 1 : i32
          %add3A_47 = arith.addi %mul3A_45, %add3A_46 : i32
          %dma_start3A_48 = arith.constant 0 : i32
          %dma_start3A_49 = tpu.memref_slice %arg10[%add3A_47, %dma_start3A_48] : memref<40x128xi32, #tpu.memory_space<vmem>> -> memref<1x128xi32, #tpu.memory_space<vmem>>
          %dma_start3A_50 = tpu.memref_squeeze %dma_start3A_49 : memref<1x128xi32, #tpu.memory_space<vmem>> -> memref<128xi32, #tpu.memory_space<vmem>>
          %dma_start3A_51 = arith.constant 0 : i32
          %dma_start3A_52 = arith.constant 0 : i32
          %dma_start3A_53 = tpu.memref_slice %arg3[%dma_start3A_51, %dma_start3A_52] : memref<10000x128xf32, #tpu.memory_space<hbm>> -> memref<10000x128xf32, #tpu.memory_space<hbm>>
          tpu.enqueue_indirect_dma source(%dma_start3A_53 : memref<10000x128xf32, #tpu.memory_space<hbm>>) target(%arg13 : memref<128x128xf32, #tpu.memory_space<vmem>>) offsets(%dma_start3A_50 : memref<128xi32, #tpu.memory_space<vmem>>) semaphore(%arg15 : memref<!tpu.dma_semaphore, #tpu.memory_space<semaphore_mem>>)
          %dma_wait3A = arith.constant 0 : i32
          %dma_wait3A_54 = tpu.memref_slice %arg10[%mul3A_38, %dma_wait3A] : memref<40x128xi32, #tpu.memory_space<vmem>> -> memref<1x128xi32, #tpu.memory_space<vmem>>
          %dma_wait3A_55 = tpu.memref_squeeze %dma_wait3A_54 : memref<1x128xi32, #tpu.memory_space<vmem>> -> memref<128xi32, #tpu.memory_space<vmem>>
          %dma_wait3A_56 = arith.constant 0 : i32
          %dma_wait3A_57 = arith.constant 0 : i32
          %dma_wait3A_58 = tpu.memref_slice %arg3[%dma_wait3A_56, %dma_wait3A_57] : memref<10000x128xf32, #tpu.memory_space<hbm>> -> memref<10000x128xf32, #tpu.memory_space<hbm>>
          tpu.wait_indirect_dma semaphore(%arg14 : memref<!tpu.dma_semaphore, #tpu.memory_space<semaphore_mem>>) src(%dma_wait3A_58 : memref<10000x128xf32, #tpu.memory_space<hbm>>) dst(%arg12 : memref<128x128xf32, #tpu.memory_space<vmem>>)
          %mul3A_59 = arith.constant 2 : i32
          %mul3A_60 = arith.muli %mul3A_59, %scan3A_36 : i32
          "tpu.region"() ({
            %run_scoped3A = tpu.sem_alloc : memref<!tpu.dma_semaphore, #tpu.memory_space<semaphore_mem>>
            %dma_start3A_71 = arith.constant 0 : i32
            %dma_start3A_72 = tpu.memref_slice %arg11[%mul3A_60, %dma_start3A_71] : memref<40x128xi32, #tpu.memory_space<vmem>> -> memref<1x128xi32, #tpu.memory_space<vmem>>
            %dma_start3A_73 = tpu.memref_squeeze %dma_start3A_72 : memref<1x128xi32, #tpu.memory_space<vmem>> -> memref<128xi32, #tpu.memory_space<vmem>>
            %dma_start3A_74 = arith.constant 0 : i32
            %dma_start3A_75 = arith.constant 0 : i32
            %dma_start3A_76 = tpu.memref_slice %arg9[%dma_start3A_74, %dma_start3A_75] : memref<10240x128xf32, #tpu.memory_space<vmem_shared>> -> memref<10240x128xf32, #tpu.memory_space<vmem_shared>>
            tpu.enqueue_indirect_dma source(%arg12 : memref<128x128xf32, #tpu.memory_space<vmem>>) target(%dma_start3A_76 : memref<10240x128xf32, #tpu.memory_space<vmem_shared>>) offsets(%dma_start3A_73 : memref<128xi32, #tpu.memory_space<vmem>>) semaphore(%run_scoped3A : memref<!tpu.dma_semaphore, #tpu.memory_space<semaphore_mem>>) {add = true}
            %dma_wait3A_77 = arith.constant 0 : i32
            %dma_wait3A_78 = tpu.memref_slice %arg11[%mul3A_60, %dma_wait3A_77] : memref<40x128xi32, #tpu.memory_space<vmem>> -> memref<1x128xi32, #tpu.memory_space<vmem>>
            %dma_wait3A_79 = tpu.memref_squeeze %dma_wait3A_78 : memref<1x128xi32, #tpu.memory_space<vmem>> -> memref<128xi32, #tpu.memory_space<vmem>>
            %dma_wait3A_80 = arith.constant 0 : i32
            %dma_wait3A_81 = arith.constant 0 : i32
            %dma_wait3A_82 = tpu.memref_slice %arg9[%dma_wait3A_80, %dma_wait3A_81] : memref<10240x128xf32, #tpu.memory_space<vmem_shared>> -> memref<10240x128xf32, #tpu.memory_space<vmem_shared>>
            tpu.wait_indirect_dma semaphore(%run_scoped3A : memref<!tpu.dma_semaphore, #tpu.memory_space<semaphore_mem>>) src(%arg12 : memref<128x128xf32, #tpu.memory_space<vmem>>) dst(%dma_wait3A_82 : memref<10240x128xf32, #tpu.memory_space<vmem_shared>>)
            tpu.yield
          }) : () -> ()
          %dma_wait3A_61 = arith.constant 0 : i32
          %dma_wait3A_62 = tpu.memref_slice %arg10[%add3A_47, %dma_wait3A_61] : memref<40x128xi32, #tpu.memory_space<vmem>> -> memref<1x128xi32, #tpu.memory_space<vmem>>
          %dma_wait3A_63 = tpu.memref_squeeze %dma_wait3A_62 : memref<1x128xi32, #tpu.memory_space<vmem>> -> memref<128xi32, #tpu.memory_space<vmem>>
          %dma_wait3A_64 = arith.constant 0 : i32
          %dma_wait3A_65 = arith.constant 0 : i32
          %dma_wait3A_66 = tpu.memref_slice %arg3[%dma_wait3A_64, %dma_wait3A_65] : memref<10000x128xf32, #tpu.memory_space<hbm>> -> memref<10000x128xf32, #tpu.memory_space<hbm>>
          tpu.wait_indirect_dma semaphore(%arg15 : memref<!tpu.dma_semaphore, #tpu.memory_space<semaphore_mem>>) src(%dma_wait3A_66 : memref<10000x128xf32, #tpu.memory_space<hbm>>) dst(%arg13 : memref<128x128xf32, #tpu.memory_space<vmem>>)
          %mul3A_67 = arith.constant 2 : i32
          %mul3A_68 = arith.muli %mul3A_67, %scan3A_36 : i32
          %add3A_69 = arith.constant 1 : i32
          %add3A_70 = arith.addi %mul3A_68, %add3A_69 : i32
          "tpu.region"() ({
            %run_scoped3A = tpu.sem_alloc : memref<!tpu.dma_semaphore, #tpu.memory_space<semaphore_mem>>
            %dma_start3A_71 = arith.constant 0 : i32
            %dma_start3A_72 = tpu.memref_slice %arg11[%add3A_70, %dma_start3A_71] : memref<40x128xi32, #tpu.memory_space<vmem>> -> memref<1x128xi32, #tpu.memory_space<vmem>>
            %dma_start3A_73 = tpu.memref_squeeze %dma_start3A_72 : memref<1x128xi32, #tpu.memory_space<vmem>> -> memref<128xi32, #tpu.memory_space<vmem>>
            %dma_start3A_74 = arith.constant 0 : i32
            %dma_start3A_75 = arith.constant 0 : i32
            %dma_start3A_76 = tpu.memref_slice %arg9[%dma_start3A_74, %dma_start3A_75] : memref<10240x128xf32, #tpu.memory_space<vmem_shared>> -> memref<10240x128xf32, #tpu.memory_space<vmem_shared>>
            tpu.enqueue_indirect_dma source(%arg13 : memref<128x128xf32, #tpu.memory_space<vmem>>) target(%dma_start3A_76 : memref<10240x128xf32, #tpu.memory_space<vmem_shared>>) offsets(%dma_start3A_73 : memref<128xi32, #tpu.memory_space<vmem>>) semaphore(%run_scoped3A : memref<!tpu.dma_semaphore, #tpu.memory_space<semaphore_mem>>) {add = true}
            %dma_wait3A_77 = arith.constant 0 : i32
            %dma_wait3A_78 = tpu.memref_slice %arg11[%add3A_70, %dma_wait3A_77] : memref<40x128xi32, #tpu.memory_space<vmem>> -> memref<1x128xi32, #tpu.memory_space<vmem>>
            %dma_wait3A_79 = tpu.memref_squeeze %dma_wait3A_78 : memref<1x128xi32, #tpu.memory_space<vmem>> -> memref<128xi32, #tpu.memory_space<vmem>>
            %dma_wait3A_80 = arith.constant 0 : i32
            %dma_wait3A_81 = arith.constant 0 : i32
            %dma_wait3A_82 = tpu.memref_slice %arg9[%dma_wait3A_80, %dma_wait3A_81] : memref<10240x128xf32, #tpu.memory_space<vmem_shared>> -> memref<10240x128xf32, #tpu.memory_space<vmem_shared>>
            tpu.wait_indirect_dma semaphore(%run_scoped3A : memref<!tpu.dma_semaphore, #tpu.memory_space<semaphore_mem>>) src(%arg13 : memref<128x128xf32, #tpu.memory_space<vmem>>) dst(%dma_wait3A_82 : memref<10240x128xf32, #tpu.memory_space<vmem_shared>>)
            tpu.yield
          }) : () -> ()
        }
        %scan3A_35 = arith.constant 20 : i32
      }
      %scan3A_24 = arith.constant 4 : i32
    } else {
    }
    %barrier3A_10 = arith.constant 0 : index
    tpu.barrier barrier_id(%barrier3A_10)
    %eq3A_11 = arith.constant 0 : i32
    %eq3A_12 = arith.cmpi eq, %arg0, %eq3A_11 : i32
    %convert_element_type3A_13 = arith.extui %eq3A_12 : i1 to i32
    %cond3A_14 = arith.constant 0 : i32
    %cond3A_15 = arith.cmpi ne, %convert_element_type3A_13, %cond3A_14 : i32
    scf.if %cond3A_15 {
      "tpu.region"() ({
        %run_scoped3A = tpu.sem_alloc : memref<!tpu.dma_semaphore, #tpu.memory_space<semaphore_mem>>
        %dma_start3A = arith.constant 0 : i32
        %dma_start3A_21 = tpu.memref_slice %arg7[%mul3A_0, %dma_start3A] : memref<10240x128xf32, #tpu.memory_space<hbm>> -> memref<640x128xf32, #tpu.memory_space<hbm>>
        %dma_start3A_22 = arith.constant 0 : i32
        %dma_start3A_23 = tpu.memref_slice %arg9[%mul3A_0, %dma_start3A_22] : memref<10240x128xf32, #tpu.memory_space<vmem_shared>> -> memref<640x128xf32, #tpu.memory_space<vmem_shared>>
        tpu.enqueue_dma source(%dma_start3A_23 : memref<640x128xf32, #tpu.memory_space<vmem_shared>>) target(%dma_start3A_21 : memref<640x128xf32, #tpu.memory_space<hbm>>) target_semaphore(%run_scoped3A : memref<!tpu.dma_semaphore, #tpu.memory_space<semaphore_mem>>)
        %dma_wait3A = arith.constant 0 : i32
        %dma_wait3A_24 = tpu.memref_slice %arg7[%mul3A_0, %dma_wait3A] : memref<10240x128xf32, #tpu.memory_space<hbm>> -> memref<640x128xf32, #tpu.memory_space<hbm>>
        %dma_wait3A_25 = arith.constant 0 : i32
        %dma_wait3A_26 = tpu.memref_slice %arg9[%mul3A_0, %dma_wait3A_25] : memref<10240x128xf32, #tpu.memory_space<vmem_shared>> -> memref<640x128xf32, #tpu.memory_space<vmem_shared>>
        tpu.wait_dma2 semaphore(%run_scoped3A : memref<!tpu.dma_semaphore, #tpu.memory_space<semaphore_mem>>) src(%dma_wait3A_26 : memref<640x128xf32, #tpu.memory_space<vmem_shared>>) dst(%dma_wait3A_24 : memref<640x128xf32, #tpu.memory_space<hbm>>)
        tpu.yield
      }) : () -> ()
    } else {
    }
    %eq3A_16 = arith.constant 1 : i32
    %eq3A_17 = arith.cmpi eq, %arg0, %eq3A_16 : i32
    %convert_element_type3A_18 = arith.extui %eq3A_17 : i1 to i32
    %cond3A_19 = arith.constant 0 : i32
    %cond3A_20 = arith.cmpi ne, %convert_element_type3A_18, %cond3A_19 : i32
    scf.if %cond3A_20 {
      "tpu.region"() ({
        %run_scoped3A = tpu.sem_alloc : memref<!tpu.dma_semaphore, #tpu.memory_space<semaphore_mem>>
        %dma_start3A = arith.constant 0 : i32
        %dma_start3A_21 = tpu.memref_slice %arg8[%mul3A_0, %dma_start3A] : memref<10240x128xf32, #tpu.memory_space<hbm>> -> memref<640x128xf32, #tpu.memory_space<hbm>>
        %dma_start3A_22 = arith.constant 0 : i32
        %dma_start3A_23 = tpu.memref_slice %arg9[%mul3A_0, %dma_start3A_22] : memref<10240x128xf32, #tpu.memory_space<vmem_shared>> -> memref<640x128xf32, #tpu.memory_space<vmem_shared>>
        tpu.enqueue_dma source(%dma_start3A_23 : memref<640x128xf32, #tpu.memory_space<vmem_shared>>) target(%dma_start3A_21 : memref<640x128xf32, #tpu.memory_space<hbm>>) target_semaphore(%run_scoped3A : memref<!tpu.dma_semaphore, #tpu.memory_space<semaphore_mem>>)
        %dma_wait3A = arith.constant 0 : i32
        %dma_wait3A_24 = tpu.memref_slice %arg8[%mul3A_0, %dma_wait3A] : memref<10240x128xf32, #tpu.memory_space<hbm>> -> memref<640x128xf32, #tpu.memory_space<hbm>>
        %dma_wait3A_25 = arith.constant 0 : i32
        %dma_wait3A_26 = tpu.memref_slice %arg9[%mul3A_0, %dma_wait3A_25] : memref<10240x128xf32, #tpu.memory_space<vmem_shared>> -> memref<640x128xf32, #tpu.memory_space<vmem_shared>>
        tpu.wait_dma2 semaphore(%run_scoped3A : memref<!tpu.dma_semaphore, #tpu.memory_space<semaphore_mem>>) src(%dma_wait3A_26 : memref<640x128xf32, #tpu.memory_space<vmem_shared>>) dst(%dma_wait3A_24 : memref<640x128xf32, #tpu.memory_space<hbm>>)
        tpu.yield
      }) : () -> ()
    } else {
    }
    return
  }
}

#map = affine_map<(d0, d1) -> (0, 0)>
module attributes {stable_mosaic.version = 14 : i64} {
  func.func @_deg_kernel(%arg0: i32, %arg1: i32, %arg2: memref<2560x128xi32, #tpu.memory_space<hbm>>, %arg3: memref<128x128xf32, #tpu.memory_space<hbm>>, %arg4: memref<10240x128xf32, #tpu.memory_space<hbm>>, %arg5: memref<10240x128xf32, #tpu.memory_space<hbm>>, %arg6: memref<10240x128xf32, #tpu.memory_space<hbm>>, %arg7: memref<10240x128xf32, #tpu.memory_space<vmem_shared>>, %arg8: memref<128x128xf32, #tpu.memory_space<vmem>>, %arg9: memref<40x128xi32, #tpu.memory_space<vmem>>) attributes {dimension_semantics = [#tpu.dimension_semantics<core_parallel>, #tpu.dimension_semantics<subcore_parallel>], iteration_bounds = array<i64: 2, 16>, scalar_prefetch = 0 : i64, scratch_operands = 3 : i64, tpu.core_type = #tpu.core_type<sc_vector_subcore>, window_params = [{transform_indices = #map}, {transform_indices = #map}, {transform_indices = #map}, {transform_indices = #map}, {transform_indices = #map}]} {
    %mul3A = arith.constant 640 : i32
    %mul3A_0 = arith.muli %arg1, %mul3A : i32
    %mul3A_1 = arith.constant 1280 : i32
    %mul3A_2 = arith.muli %arg0, %mul3A_1 : i32
    %mul3A_3 = arith.constant 80 : i32
    %mul3A_4 = arith.muli %arg1, %mul3A_3 : i32
    %add3A = arith.addi %mul3A_2, %mul3A_4 : i32
    "tpu.region"() ({
      %run_scoped3A = tpu.sem_alloc : memref<!tpu.dma_semaphore, #tpu.memory_space<semaphore_mem>>
      %dma_start3A = arith.constant 0 : i32
      %dma_start3A_17 = tpu.memref_slice %arg7[%mul3A_0, %dma_start3A] : memref<10240x128xf32, #tpu.memory_space<vmem_shared>> -> memref<640x128xf32, #tpu.memory_space<vmem_shared>>
      %dma_start3A_18 = arith.constant 0 : i32
      %dma_start3A_19 = tpu.memref_slice %arg4[%mul3A_0, %dma_start3A_18] : memref<10240x128xf32, #tpu.memory_space<hbm>> -> memref<640x128xf32, #tpu.memory_space<hbm>>
      tpu.enqueue_dma source(%dma_start3A_19 : memref<640x128xf32, #tpu.memory_space<hbm>>) target(%dma_start3A_17 : memref<640x128xf32, #tpu.memory_space<vmem_shared>>) target_semaphore(%run_scoped3A : memref<!tpu.dma_semaphore, #tpu.memory_space<semaphore_mem>>)
      %dma_wait3A = arith.constant 0 : i32
      %dma_wait3A_20 = tpu.memref_slice %arg7[%mul3A_0, %dma_wait3A] : memref<10240x128xf32, #tpu.memory_space<vmem_shared>> -> memref<640x128xf32, #tpu.memory_space<vmem_shared>>
      %dma_wait3A_21 = arith.constant 0 : i32
      %dma_wait3A_22 = tpu.memref_slice %arg4[%mul3A_0, %dma_wait3A_21] : memref<10240x128xf32, #tpu.memory_space<hbm>> -> memref<640x128xf32, #tpu.memory_space<hbm>>
      tpu.wait_dma2 semaphore(%run_scoped3A : memref<!tpu.dma_semaphore, #tpu.memory_space<semaphore_mem>>) src(%dma_wait3A_22 : memref<640x128xf32, #tpu.memory_space<hbm>>) dst(%dma_wait3A_20 : memref<640x128xf32, #tpu.memory_space<vmem_shared>>)
      tpu.yield
    }) : () -> ()
    "tpu.region"() ({
      %run_scoped3A = tpu.sem_alloc : memref<!tpu.dma_semaphore, #tpu.memory_space<semaphore_mem>>
      tpu.enqueue_dma source(%arg3 : memref<128x128xf32, #tpu.memory_space<hbm>>) target(%arg8 : memref<128x128xf32, #tpu.memory_space<vmem>>) target_semaphore(%run_scoped3A : memref<!tpu.dma_semaphore, #tpu.memory_space<semaphore_mem>>)
      tpu.wait_dma2 semaphore(%run_scoped3A : memref<!tpu.dma_semaphore, #tpu.memory_space<semaphore_mem>>) src(%arg3 : memref<128x128xf32, #tpu.memory_space<hbm>>) dst(%arg8 : memref<128x128xf32, #tpu.memory_space<vmem>>)
      tpu.yield
    }) : () -> ()
    %barrier3A = arith.constant 0 : index
    tpu.barrier barrier_id(%barrier3A)
    %scan3A = arith.constant 0 : i32
    %scan3A_5 = arith.constant 2 : i32
    %scan3A_6 = arith.addi %scan3A, %scan3A_5 : i32
    %scan3A_7 = arith.constant 1 : i32
    scf.for %scan3A_17 = %scan3A to %scan3A_6 step %scan3A_7  : i32 {
      %mul3A_18 = arith.constant 40 : i32
      %mul3A_19 = arith.muli %scan3A_17, %mul3A_18 : i32
      %add3A_20 = arith.addi %add3A, %mul3A_19 : i32
      "tpu.region"() ({
        %run_scoped3A = tpu.sem_alloc : memref<!tpu.dma_semaphore, #tpu.memory_space<semaphore_mem>>
        %dma_start3A = arith.constant 0 : i32
        %dma_start3A_26 = tpu.memref_slice %arg2[%add3A_20, %dma_start3A] : memref<2560x128xi32, #tpu.memory_space<hbm>> -> memref<40x128xi32, #tpu.memory_space<hbm>>
        %dma_start3A_27 = arith.constant 0 : i32
        %dma_start3A_28 = tpu.memref_slice %arg2[%add3A_20, %dma_start3A_27] : memref<2560x128xi32, #tpu.memory_space<hbm>> -> memref<40x128xi32, #tpu.memory_space<hbm>>
        tpu.enqueue_dma source(%dma_start3A_28 : memref<40x128xi32, #tpu.memory_space<hbm>>) target(%arg9 : memref<40x128xi32, #tpu.memory_space<vmem>>) target_semaphore(%run_scoped3A : memref<!tpu.dma_semaphore, #tpu.memory_space<semaphore_mem>>)
        %dma_wait3A = arith.constant 0 : i32
        %dma_wait3A_29 = tpu.memref_slice %arg2[%add3A_20, %dma_wait3A] : memref<2560x128xi32, #tpu.memory_space<hbm>> -> memref<40x128xi32, #tpu.memory_space<hbm>>
        %dma_wait3A_30 = arith.constant 0 : i32
        %dma_wait3A_31 = tpu.memref_slice %arg2[%add3A_20, %dma_wait3A_30] : memref<2560x128xi32, #tpu.memory_space<hbm>> -> memref<40x128xi32, #tpu.memory_space<hbm>>
        tpu.wait_dma2 semaphore(%run_scoped3A : memref<!tpu.dma_semaphore, #tpu.memory_space<semaphore_mem>>) src(%dma_wait3A_31 : memref<40x128xi32, #tpu.memory_space<hbm>>) dst(%arg9 : memref<40x128xi32, #tpu.memory_space<vmem>>)
        tpu.yield
      }) : () -> ()
      %scan3A_21 = arith.constant 0 : i32
      %scan3A_22 = arith.constant 40 : i32
      %scan3A_23 = arith.addi %scan3A_21, %scan3A_22 : i32
      %scan3A_24 = arith.constant 1 : i32
      scf.for %scan3A_26 = %scan3A_21 to %scan3A_23 step %scan3A_24  : i32 {
        "tpu.region"() ({
          %run_scoped3A = tpu.sem_alloc : memref<!tpu.dma_semaphore, #tpu.memory_space<semaphore_mem>>
          %dma_start3A = arith.constant 0 : i32
          %dma_start3A_27 = tpu.memref_slice %arg9[%scan3A_26, %dma_start3A] : memref<40x128xi32, #tpu.memory_space<vmem>> -> memref<1x128xi32, #tpu.memory_space<vmem>>
          %dma_start3A_28 = tpu.memref_squeeze %dma_start3A_27 : memref<1x128xi32, #tpu.memory_space<vmem>> -> memref<128xi32, #tpu.memory_space<vmem>>
          %dma_start3A_29 = arith.constant 0 : i32
          %dma_start3A_30 = arith.constant 0 : i32
          %dma_start3A_31 = tpu.memref_slice %arg7[%dma_start3A_29, %dma_start3A_30] : memref<10240x128xf32, #tpu.memory_space<vmem_shared>> -> memref<10240x128xf32, #tpu.memory_space<vmem_shared>>
          tpu.enqueue_indirect_dma source(%arg8 : memref<128x128xf32, #tpu.memory_space<vmem>>) target(%dma_start3A_31 : memref<10240x128xf32, #tpu.memory_space<vmem_shared>>) offsets(%dma_start3A_28 : memref<128xi32, #tpu.memory_space<vmem>>) semaphore(%run_scoped3A : memref<!tpu.dma_semaphore, #tpu.memory_space<semaphore_mem>>) {add = true}
          %dma_wait3A = arith.constant 0 : i32
          %dma_wait3A_32 = tpu.memref_slice %arg9[%scan3A_26, %dma_wait3A] : memref<40x128xi32, #tpu.memory_space<vmem>> -> memref<1x128xi32, #tpu.memory_space<vmem>>
          %dma_wait3A_33 = tpu.memref_squeeze %dma_wait3A_32 : memref<1x128xi32, #tpu.memory_space<vmem>> -> memref<128xi32, #tpu.memory_space<vmem>>
          %dma_wait3A_34 = arith.constant 0 : i32
          %dma_wait3A_35 = arith.constant 0 : i32
          %dma_wait3A_36 = tpu.memref_slice %arg7[%dma_wait3A_34, %dma_wait3A_35] : memref<10240x128xf32, #tpu.memory_space<vmem_shared>> -> memref<10240x128xf32, #tpu.memory_space<vmem_shared>>
          tpu.wait_indirect_dma semaphore(%run_scoped3A : memref<!tpu.dma_semaphore, #tpu.memory_space<semaphore_mem>>) src(%arg8 : memref<128x128xf32, #tpu.memory_space<vmem>>) dst(%dma_wait3A_36 : memref<10240x128xf32, #tpu.memory_space<vmem_shared>>)
          tpu.yield
        }) : () -> ()
      }
      %scan3A_25 = arith.constant 40 : i32
    }
    %scan3A_8 = arith.constant 2 : i32
    %barrier3A_9 = arith.constant 0 : index
    tpu.barrier barrier_id(%barrier3A_9)
    %eq3A = arith.constant 0 : i32
    %eq3A_10 = arith.cmpi eq, %arg0, %eq3A : i32
    %convert_element_type3A = arith.extui %eq3A_10 : i1 to i32
    %cond3A = arith.constant 0 : i32
    %cond3A_11 = arith.cmpi ne, %convert_element_type3A, %cond3A : i32
    scf.if %cond3A_11 {
      "tpu.region"() ({
        %run_scoped3A = tpu.sem_alloc : memref<!tpu.dma_semaphore, #tpu.memory_space<semaphore_mem>>
        %dma_start3A = arith.constant 0 : i32
        %dma_start3A_17 = tpu.memref_slice %arg5[%mul3A_0, %dma_start3A] : memref<10240x128xf32, #tpu.memory_space<hbm>> -> memref<640x128xf32, #tpu.memory_space<hbm>>
        %dma_start3A_18 = arith.constant 0 : i32
        %dma_start3A_19 = tpu.memref_slice %arg7[%mul3A_0, %dma_start3A_18] : memref<10240x128xf32, #tpu.memory_space<vmem_shared>> -> memref<640x128xf32, #tpu.memory_space<vmem_shared>>
        tpu.enqueue_dma source(%dma_start3A_19 : memref<640x128xf32, #tpu.memory_space<vmem_shared>>) target(%dma_start3A_17 : memref<640x128xf32, #tpu.memory_space<hbm>>) target_semaphore(%run_scoped3A : memref<!tpu.dma_semaphore, #tpu.memory_space<semaphore_mem>>)
        %dma_wait3A = arith.constant 0 : i32
        %dma_wait3A_20 = tpu.memref_slice %arg5[%mul3A_0, %dma_wait3A] : memref<10240x128xf32, #tpu.memory_space<hbm>> -> memref<640x128xf32, #tpu.memory_space<hbm>>
        %dma_wait3A_21 = arith.constant 0 : i32
        %dma_wait3A_22 = tpu.memref_slice %arg7[%mul3A_0, %dma_wait3A_21] : memref<10240x128xf32, #tpu.memory_space<vmem_shared>> -> memref<640x128xf32, #tpu.memory_space<vmem_shared>>
        tpu.wait_dma2 semaphore(%run_scoped3A : memref<!tpu.dma_semaphore, #tpu.memory_space<semaphore_mem>>) src(%dma_wait3A_22 : memref<640x128xf32, #tpu.memory_space<vmem_shared>>) dst(%dma_wait3A_20 : memref<640x128xf32, #tpu.memory_space<hbm>>)
        tpu.yield
      }) : () -> ()
    } else {
    }
    %eq3A_12 = arith.constant 1 : i32
    %eq3A_13 = arith.cmpi eq, %arg0, %eq3A_12 : i32
    %convert_element_type3A_14 = arith.extui %eq3A_13 : i1 to i32
    %cond3A_15 = arith.constant 0 : i32
    %cond3A_16 = arith.cmpi ne, %convert_element_type3A_14, %cond3A_15 : i32
    scf.if %cond3A_16 {
      "tpu.region"() ({
        %run_scoped3A = tpu.sem_alloc : memref<!tpu.dma_semaphore, #tpu.memory_space<semaphore_mem>>
        %dma_start3A = arith.constant 0 : i32
        %dma_start3A_17 = tpu.memref_slice %arg6[%mul3A_0, %dma_start3A] : memref<10240x128xf32, #tpu.memory_space<hbm>> -> memref<640x128xf32, #tpu.memory_space<hbm>>
        %dma_start3A_18 = arith.constant 0 : i32
        %dma_start3A_19 = tpu.memref_slice %arg7[%mul3A_0, %dma_start3A_18] : memref<10240x128xf32, #tpu.memory_space<vmem_shared>> -> memref<640x128xf32, #tpu.memory_space<vmem_shared>>
        tpu.enqueue_dma source(%dma_start3A_19 : memref<640x128xf32, #tpu.memory_space<vmem_shared>>) target(%dma_start3A_17 : memref<640x128xf32, #tpu.memory_space<hbm>>) target_semaphore(%run_scoped3A : memref<!tpu.dma_semaphore, #tpu.memory_space<semaphore_mem>>)
        %dma_wait3A = arith.constant 0 : i32
        %dma_wait3A_20 = tpu.memref_slice %arg6[%mul3A_0, %dma_wait3A] : memref<10240x128xf32, #tpu.memory_space<hbm>> -> memref<640x128xf32, #tpu.memory_space<hbm>>
        %dma_wait3A_21 = arith.constant 0 : i32
        %dma_wait3A_22 = tpu.memref_slice %arg7[%mul3A_0, %dma_wait3A_21] : memref<10240x128xf32, #tpu.memory_space<vmem_shared>> -> memref<640x128xf32, #tpu.memory_space<vmem_shared>>
        tpu.wait_dma2 semaphore(%run_scoped3A : memref<!tpu.dma_semaphore, #tpu.memory_space<semaphore_mem>>) src(%dma_wait3A_22 : memref<640x128xf32, #tpu.memory_space<vmem_shared>>) dst(%dma_wait3A_20 : memref<640x128xf32, #tpu.memory_space<hbm>>)
        tpu.yield
      }) : () -> ()
    } else {
    }
    return
  }
}

#map = affine_map<(d0, d1) -> (0, 0)>
module attributes {stable_mosaic.version = 14 : i64} {
  func.func @_agg1_kernel(%arg0: i32, %arg1: i32, %arg2: memref<10000x128xf32, #tpu.memory_space<hbm>>, %arg3: memref<2560x128xi32, #tpu.memory_space<hbm>>, %arg4: memref<2560x128xi32, #tpu.memory_space<hbm>>, %arg5: memref<10240x128xf32, #tpu.memory_space<hbm>>, %arg6: memref<10240x128xf32, #tpu.memory_space<hbm>>, %arg7: memref<10240x128xf32, #tpu.memory_space<hbm>>, %arg8: memref<10240x128xf32, #tpu.memory_space<vmem_shared>>, %arg9: memref<40x128xi32, #tpu.memory_space<vmem>>, %arg10: memref<40x128xi32, #tpu.memory_space<vmem>>, %arg11: memref<128x128xf32, #tpu.memory_space<vmem>>, %arg12: memref<128x128xf32, #tpu.memory_space<vmem>>, %arg13: memref<!tpu.dma_semaphore, #tpu.memory_space<semaphore_mem>>, %arg14: memref<!tpu.dma_semaphore, #tpu.memory_space<semaphore_mem>>) attributes {dimension_semantics = [#tpu.dimension_semantics<core_parallel>, #tpu.dimension_semantics<subcore_parallel>], iteration_bounds = array<i64: 2, 16>, scalar_prefetch = 0 : i64, scratch_operands = 7 : i64, tpu.core_type = #tpu.core_type<sc_vector_subcore>, window_params = [{transform_indices = #map}, {transform_indices = #map}, {transform_indices = #map}, {transform_indices = #map}, {transform_indices = #map}, {transform_indices = #map}]} {
    %mul3A = arith.constant 640 : i32
    %mul3A_0 = arith.muli %arg1, %mul3A : i32
    %mul3A_1 = arith.constant 1280 : i32
    %mul3A_2 = arith.muli %arg0, %mul3A_1 : i32
    %mul3A_3 = arith.constant 80 : i32
    %mul3A_4 = arith.muli %arg1, %mul3A_3 : i32
    %add3A = arith.addi %mul3A_2, %mul3A_4 : i32
    "tpu.region"() ({
      %run_scoped3A = tpu.sem_alloc : memref<!tpu.dma_semaphore, #tpu.memory_space<semaphore_mem>>
      %dma_start3A = arith.constant 0 : i32
      %dma_start3A_17 = tpu.memref_slice %arg8[%mul3A_0, %dma_start3A] : memref<10240x128xf32, #tpu.memory_space<vmem_shared>> -> memref<640x128xf32, #tpu.memory_space<vmem_shared>>
      %dma_start3A_18 = arith.constant 0 : i32
      %dma_start3A_19 = tpu.memref_slice %arg5[%mul3A_0, %dma_start3A_18] : memref<10240x128xf32, #tpu.memory_space<hbm>> -> memref<640x128xf32, #tpu.memory_space<hbm>>
      tpu.enqueue_dma source(%dma_start3A_19 : memref<640x128xf32, #tpu.memory_space<hbm>>) target(%dma_start3A_17 : memref<640x128xf32, #tpu.memory_space<vmem_shared>>) target_semaphore(%run_scoped3A : memref<!tpu.dma_semaphore, #tpu.memory_space<semaphore_mem>>)
      %dma_wait3A = arith.constant 0 : i32
      %dma_wait3A_20 = tpu.memref_slice %arg8[%mul3A_0, %dma_wait3A] : memref<10240x128xf32, #tpu.memory_space<vmem_shared>> -> memref<640x128xf32, #tpu.memory_space<vmem_shared>>
      %dma_wait3A_21 = arith.constant 0 : i32
      %dma_wait3A_22 = tpu.memref_slice %arg5[%mul3A_0, %dma_wait3A_21] : memref<10240x128xf32, #tpu.memory_space<hbm>> -> memref<640x128xf32, #tpu.memory_space<hbm>>
      tpu.wait_dma2 semaphore(%run_scoped3A : memref<!tpu.dma_semaphore, #tpu.memory_space<semaphore_mem>>) src(%dma_wait3A_22 : memref<640x128xf32, #tpu.memory_space<hbm>>) dst(%dma_wait3A_20 : memref<640x128xf32, #tpu.memory_space<vmem_shared>>)
      tpu.yield
    }) : () -> ()
    %barrier3A = arith.constant 0 : index
    tpu.barrier barrier_id(%barrier3A)
    %scan3A = arith.constant 0 : i32
    %scan3A_5 = arith.constant 2 : i32
    %scan3A_6 = arith.addi %scan3A, %scan3A_5 : i32
    %scan3A_7 = arith.constant 1 : i32
    scf.for %scan3A_17 = %scan3A to %scan3A_6 step %scan3A_7  : i32 {
      %mul3A_18 = arith.constant 40 : i32
      %mul3A_19 = arith.muli %scan3A_17, %mul3A_18 : i32
      %add3A_20 = arith.addi %add3A, %mul3A_19 : i32
      "tpu.region"() ({
        %run_scoped3A = tpu.sem_alloc : memref<!tpu.dma_semaphore, #tpu.memory_space<semaphore_mem>>
        %dma_start3A = arith.constant 0 : i32
        %dma_start3A_29 = tpu.memref_slice %arg3[%add3A_20, %dma_start3A] : memref<2560x128xi32, #tpu.memory_space<hbm>> -> memref<40x128xi32, #tpu.memory_space<hbm>>
        %dma_start3A_30 = arith.constant 0 : i32
        %dma_start3A_31 = tpu.memref_slice %arg3[%add3A_20, %dma_start3A_30] : memref<2560x128xi32, #tpu.memory_space<hbm>> -> memref<40x128xi32, #tpu.memory_space<hbm>>
        tpu.enqueue_dma source(%dma_start3A_31 : memref<40x128xi32, #tpu.memory_space<hbm>>) target(%arg9 : memref<40x128xi32, #tpu.memory_space<vmem>>) target_semaphore(%run_scoped3A : memref<!tpu.dma_semaphore, #tpu.memory_space<semaphore_mem>>)
        %dma_wait3A = arith.constant 0 : i32
        %dma_wait3A_32 = tpu.memref_slice %arg3[%add3A_20, %dma_wait3A] : memref<2560x128xi32, #tpu.memory_space<hbm>> -> memref<40x128xi32, #tpu.memory_space<hbm>>
        %dma_wait3A_33 = arith.constant 0 : i32
        %dma_wait3A_34 = tpu.memref_slice %arg3[%add3A_20, %dma_wait3A_33] : memref<2560x128xi32, #tpu.memory_space<hbm>> -> memref<40x128xi32, #tpu.memory_space<hbm>>
        tpu.wait_dma2 semaphore(%run_scoped3A : memref<!tpu.dma_semaphore, #tpu.memory_space<semaphore_mem>>) src(%dma_wait3A_34 : memref<40x128xi32, #tpu.memory_space<hbm>>) dst(%arg9 : memref<40x128xi32, #tpu.memory_space<vmem>>)
        tpu.yield
      }) : () -> ()
      %mul3A_21 = arith.constant 40 : i32
      %mul3A_22 = arith.muli %scan3A_17, %mul3A_21 : i32
      %add3A_23 = arith.addi %add3A, %mul3A_22 : i32
      "tpu.region"() ({
        %run_scoped3A = tpu.sem_alloc : memref<!tpu.dma_semaphore, #tpu.memory_space<semaphore_mem>>
        %dma_start3A = arith.constant 0 : i32
        %dma_start3A_29 = tpu.memref_slice %arg4[%add3A_23, %dma_start3A] : memref<2560x128xi32, #tpu.memory_space<hbm>> -> memref<40x128xi32, #tpu.memory_space<hbm>>
        %dma_start3A_30 = arith.constant 0 : i32
        %dma_start3A_31 = tpu.memref_slice %arg4[%add3A_23, %dma_start3A_30] : memref<2560x128xi32, #tpu.memory_space<hbm>> -> memref<40x128xi32, #tpu.memory_space<hbm>>
        tpu.enqueue_dma source(%dma_start3A_31 : memref<40x128xi32, #tpu.memory_space<hbm>>) target(%arg10 : memref<40x128xi32, #tpu.memory_space<vmem>>) target_semaphore(%run_scoped3A : memref<!tpu.dma_semaphore, #tpu.memory_space<semaphore_mem>>)
        %dma_wait3A = arith.constant 0 : i32
        %dma_wait3A_32 = tpu.memref_slice %arg4[%add3A_23, %dma_wait3A] : memref<2560x128xi32, #tpu.memory_space<hbm>> -> memref<40x128xi32, #tpu.memory_space<hbm>>
        %dma_wait3A_33 = arith.constant 0 : i32
        %dma_wait3A_34 = tpu.memref_slice %arg4[%add3A_23, %dma_wait3A_33] : memref<2560x128xi32, #tpu.memory_space<hbm>> -> memref<40x128xi32, #tpu.memory_space<hbm>>
        tpu.wait_dma2 semaphore(%run_scoped3A : memref<!tpu.dma_semaphore, #tpu.memory_space<semaphore_mem>>) src(%dma_wait3A_34 : memref<40x128xi32, #tpu.memory_space<hbm>>) dst(%arg10 : memref<40x128xi32, #tpu.memory_space<vmem>>)
        tpu.yield
      }) : () -> ()
      %scan3A_24 = arith.constant 0 : i32
      %scan3A_25 = arith.constant 20 : i32
      %scan3A_26 = arith.addi %scan3A_24, %scan3A_25 : i32
      %scan3A_27 = arith.constant 1 : i32
      scf.for %scan3A_29 = %scan3A_24 to %scan3A_26 step %scan3A_27  : i32 {
        %mul3A_30 = arith.constant 2 : i32
        %mul3A_31 = arith.muli %mul3A_30, %scan3A_29 : i32
        %dma_start3A = arith.constant 0 : i32
        %dma_start3A_32 = tpu.memref_slice %arg9[%mul3A_31, %dma_start3A] : memref<40x128xi32, #tpu.memory_space<vmem>> -> memref<1x128xi32, #tpu.memory_space<vmem>>
        %dma_start3A_33 = tpu.memref_squeeze %dma_start3A_32 : memref<1x128xi32, #tpu.memory_space<vmem>> -> memref<128xi32, #tpu.memory_space<vmem>>
        %dma_start3A_34 = arith.constant 0 : i32
        %dma_start3A_35 = arith.constant 0 : i32
        %dma_start3A_36 = tpu.memref_slice %arg2[%dma_start3A_34, %dma_start3A_35] : memref<10000x128xf32, #tpu.memory_space<hbm>> -> memref<10000x128xf32, #tpu.memory_space<hbm>>
        tpu.enqueue_indirect_dma source(%dma_start3A_36 : memref<10000x128xf32, #tpu.memory_space<hbm>>) target(%arg11 : memref<128x128xf32, #tpu.memory_space<vmem>>) offsets(%dma_start3A_33 : memref<128xi32, #tpu.memory_space<vmem>>) semaphore(%arg13 : memref<!tpu.dma_semaphore, #tpu.memory_space<semaphore_mem>>)
        %mul3A_37 = arith.constant 2 : i32
        %mul3A_38 = arith.muli %mul3A_37, %scan3A_29 : i32
        %add3A_39 = arith.constant 1 : i32
        %add3A_40 = arith.addi %mul3A_38, %add3A_39 : i32
        %dma_start3A_41 = arith.constant 0 : i32
        %dma_start3A_42 = tpu.memref_slice %arg9[%add3A_40, %dma_start3A_41] : memref<40x128xi32, #tpu.memory_space<vmem>> -> memref<1x128xi32, #tpu.memory_space<vmem>>
        %dma_start3A_43 = tpu.memref_squeeze %dma_start3A_42 : memref<1x128xi32, #tpu.memory_space<vmem>> -> memref<128xi32, #tpu.memory_space<vmem>>
        %dma_start3A_44 = arith.constant 0 : i32
        %dma_start3A_45 = arith.constant 0 : i32
        %dma_start3A_46 = tpu.memref_slice %arg2[%dma_start3A_44, %dma_start3A_45] : memref<10000x128xf32, #tpu.memory_space<hbm>> -> memref<10000x128xf32, #tpu.memory_space<hbm>>
        tpu.enqueue_indirect_dma source(%dma_start3A_46 : memref<10000x128xf32, #tpu.memory_space<hbm>>) target(%arg12 : memref<128x128xf32, #tpu.memory_space<vmem>>) offsets(%dma_start3A_43 : memref<128xi32, #tpu.memory_space<vmem>>) semaphore(%arg14 : memref<!tpu.dma_semaphore, #tpu.memory_space<semaphore_mem>>)
        %dma_wait3A = arith.constant 0 : i32
        %dma_wait3A_47 = tpu.memref_slice %arg9[%mul3A_31, %dma_wait3A] : memref<40x128xi32, #tpu.memory_space<vmem>> -> memref<1x128xi32, #tpu.memory_space<vmem>>
        %dma_wait3A_48 = tpu.memref_squeeze %dma_wait3A_47 : memref<1x128xi32, #tpu.memory_space<vmem>> -> memref<128xi32, #tpu.memory_space<vmem>>
        %dma_wait3A_49 = arith.constant 0 : i32
        %dma_wait3A_50 = arith.constant 0 : i32
        %dma_wait3A_51 = tpu.memref_slice %arg2[%dma_wait3A_49, %dma_wait3A_50] : memref<10000x128xf32, #tpu.memory_space<hbm>> -> memref<10000x128xf32, #tpu.memory_space<hbm>>
        tpu.wait_indirect_dma semaphore(%arg13 : memref<!tpu.dma_semaphore, #tpu.memory_space<semaphore_mem>>) src(%dma_wait3A_51 : memref<10000x128xf32, #tpu.memory_space<hbm>>) dst(%arg11 : memref<128x128xf32, #tpu.memory_space<vmem>>)
        %mul3A_52 = arith.constant 2 : i32
        %mul3A_53 = arith.muli %mul3A_52, %scan3A_29 : i32
        "tpu.region"() ({
          %run_scoped3A = tpu.sem_alloc : memref<!tpu.dma_semaphore, #tpu.memory_space<semaphore_mem>>
          %dma_start3A_64 = arith.constant 0 : i32
          %dma_start3A_65 = tpu.memref_slice %arg10[%mul3A_53, %dma_start3A_64] : memref<40x128xi32, #tpu.memory_space<vmem>> -> memref<1x128xi32, #tpu.memory_space<vmem>>
          %dma_start3A_66 = tpu.memref_squeeze %dma_start3A_65 : memref<1x128xi32, #tpu.memory_space<vmem>> -> memref<128xi32, #tpu.memory_space<vmem>>
          %dma_start3A_67 = arith.constant 0 : i32
          %dma_start3A_68 = arith.constant 0 : i32
          %dma_start3A_69 = tpu.memref_slice %arg8[%dma_start3A_67, %dma_start3A_68] : memref<10240x128xf32, #tpu.memory_space<vmem_shared>> -> memref<10240x128xf32, #tpu.memory_space<vmem_shared>>
          tpu.enqueue_indirect_dma source(%arg11 : memref<128x128xf32, #tpu.memory_space<vmem>>) target(%dma_start3A_69 : memref<10240x128xf32, #tpu.memory_space<vmem_shared>>) offsets(%dma_start3A_66 : memref<128xi32, #tpu.memory_space<vmem>>) semaphore(%run_scoped3A : memref<!tpu.dma_semaphore, #tpu.memory_space<semaphore_mem>>) {add = true}
          %dma_wait3A_70 = arith.constant 0 : i32
          %dma_wait3A_71 = tpu.memref_slice %arg10[%mul3A_53, %dma_wait3A_70] : memref<40x128xi32, #tpu.memory_space<vmem>> -> memref<1x128xi32, #tpu.memory_space<vmem>>
          %dma_wait3A_72 = tpu.memref_squeeze %dma_wait3A_71 : memref<1x128xi32, #tpu.memory_space<vmem>> -> memref<128xi32, #tpu.memory_space<vmem>>
          %dma_wait3A_73 = arith.constant 0 : i32
          %dma_wait3A_74 = arith.constant 0 : i32
          %dma_wait3A_75 = tpu.memref_slice %arg8[%dma_wait3A_73, %dma_wait3A_74] : memref<10240x128xf32, #tpu.memory_space<vmem_shared>> -> memref<10240x128xf32, #tpu.memory_space<vmem_shared>>
          tpu.wait_indirect_dma semaphore(%run_scoped3A : memref<!tpu.dma_semaphore, #tpu.memory_space<semaphore_mem>>) src(%arg11 : memref<128x128xf32, #tpu.memory_space<vmem>>) dst(%dma_wait3A_75 : memref<10240x128xf32, #tpu.memory_space<vmem_shared>>)
          tpu.yield
        }) : () -> ()
        %dma_wait3A_54 = arith.constant 0 : i32
        %dma_wait3A_55 = tpu.memref_slice %arg9[%add3A_40, %dma_wait3A_54] : memref<40x128xi32, #tpu.memory_space<vmem>> -> memref<1x128xi32, #tpu.memory_space<vmem>>
        %dma_wait3A_56 = tpu.memref_squeeze %dma_wait3A_55 : memref<1x128xi32, #tpu.memory_space<vmem>> -> memref<128xi32, #tpu.memory_space<vmem>>
        %dma_wait3A_57 = arith.constant 0 : i32
        %dma_wait3A_58 = arith.constant 0 : i32
        %dma_wait3A_59 = tpu.memref_slice %arg2[%dma_wait3A_57, %dma_wait3A_58] : memref<10000x128xf32, #tpu.memory_space<hbm>> -> memref<10000x128xf32, #tpu.memory_space<hbm>>
        tpu.wait_indirect_dma semaphore(%arg14 : memref<!tpu.dma_semaphore, #tpu.memory_space<semaphore_mem>>) src(%dma_wait3A_59 : memref<10000x128xf32, #tpu.memory_space<hbm>>) dst(%arg12 : memref<128x128xf32, #tpu.memory_space<vmem>>)
        %mul3A_60 = arith.constant 2 : i32
        %mul3A_61 = arith.muli %mul3A_60, %scan3A_29 : i32
        %add3A_62 = arith.constant 1 : i32
        %add3A_63 = arith.addi %mul3A_61, %add3A_62 : i32
        "tpu.region"() ({
          %run_scoped3A = tpu.sem_alloc : memref<!tpu.dma_semaphore, #tpu.memory_space<semaphore_mem>>
          %dma_start3A_64 = arith.constant 0 : i32
          %dma_start3A_65 = tpu.memref_slice %arg10[%add3A_63, %dma_start3A_64] : memref<40x128xi32, #tpu.memory_space<vmem>> -> memref<1x128xi32, #tpu.memory_space<vmem>>
          %dma_start3A_66 = tpu.memref_squeeze %dma_start3A_65 : memref<1x128xi32, #tpu.memory_space<vmem>> -> memref<128xi32, #tpu.memory_space<vmem>>
          %dma_start3A_67 = arith.constant 0 : i32
          %dma_start3A_68 = arith.constant 0 : i32
          %dma_start3A_69 = tpu.memref_slice %arg8[%dma_start3A_67, %dma_start3A_68] : memref<10240x128xf32, #tpu.memory_space<vmem_shared>> -> memref<10240x128xf32, #tpu.memory_space<vmem_shared>>
          tpu.enqueue_indirect_dma source(%arg12 : memref<128x128xf32, #tpu.memory_space<vmem>>) target(%dma_start3A_69 : memref<10240x128xf32, #tpu.memory_space<vmem_shared>>) offsets(%dma_start3A_66 : memref<128xi32, #tpu.memory_space<vmem>>) semaphore(%run_scoped3A : memref<!tpu.dma_semaphore, #tpu.memory_space<semaphore_mem>>) {add = true}
          %dma_wait3A_70 = arith.constant 0 : i32
          %dma_wait3A_71 = tpu.memref_slice %arg10[%add3A_63, %dma_wait3A_70] : memref<40x128xi32, #tpu.memory_space<vmem>> -> memref<1x128xi32, #tpu.memory_space<vmem>>
          %dma_wait3A_72 = tpu.memref_squeeze %dma_wait3A_71 : memref<1x128xi32, #tpu.memory_space<vmem>> -> memref<128xi32, #tpu.memory_space<vmem>>
          %dma_wait3A_73 = arith.constant 0 : i32
          %dma_wait3A_74 = arith.constant 0 : i32
          %dma_wait3A_75 = tpu.memref_slice %arg8[%dma_wait3A_73, %dma_wait3A_74] : memref<10240x128xf32, #tpu.memory_space<vmem_shared>> -> memref<10240x128xf32, #tpu.memory_space<vmem_shared>>
          tpu.wait_indirect_dma semaphore(%run_scoped3A : memref<!tpu.dma_semaphore, #tpu.memory_space<semaphore_mem>>) src(%arg12 : memref<128x128xf32, #tpu.memory_space<vmem>>) dst(%dma_wait3A_75 : memref<10240x128xf32, #tpu.memory_space<vmem_shared>>)
          tpu.yield
        }) : () -> ()
      }
      %scan3A_28 = arith.constant 20 : i32
    }
    %scan3A_8 = arith.constant 2 : i32
    %barrier3A_9 = arith.constant 0 : index
    tpu.barrier barrier_id(%barrier3A_9)
    %eq3A = arith.constant 0 : i32
    %eq3A_10 = arith.cmpi eq, %arg0, %eq3A : i32
    %convert_element_type3A = arith.extui %eq3A_10 : i1 to i32
    %cond3A = arith.constant 0 : i32
    %cond3A_11 = arith.cmpi ne, %convert_element_type3A, %cond3A : i32
    scf.if %cond3A_11 {
      "tpu.region"() ({
        %run_scoped3A = tpu.sem_alloc : memref<!tpu.dma_semaphore, #tpu.memory_space<semaphore_mem>>
        %dma_start3A = arith.constant 0 : i32
        %dma_start3A_17 = tpu.memref_slice %arg6[%mul3A_0, %dma_start3A] : memref<10240x128xf32, #tpu.memory_space<hbm>> -> memref<640x128xf32, #tpu.memory_space<hbm>>
        %dma_start3A_18 = arith.constant 0 : i32
        %dma_start3A_19 = tpu.memref_slice %arg8[%mul3A_0, %dma_start3A_18] : memref<10240x128xf32, #tpu.memory_space<vmem_shared>> -> memref<640x128xf32, #tpu.memory_space<vmem_shared>>
        tpu.enqueue_dma source(%dma_start3A_19 : memref<640x128xf32, #tpu.memory_space<vmem_shared>>) target(%dma_start3A_17 : memref<640x128xf32, #tpu.memory_space<hbm>>) target_semaphore(%run_scoped3A : memref<!tpu.dma_semaphore, #tpu.memory_space<semaphore_mem>>)
        %dma_wait3A = arith.constant 0 : i32
        %dma_wait3A_20 = tpu.memref_slice %arg6[%mul3A_0, %dma_wait3A] : memref<10240x128xf32, #tpu.memory_space<hbm>> -> memref<640x128xf32, #tpu.memory_space<hbm>>
        %dma_wait3A_21 = arith.constant 0 : i32
        %dma_wait3A_22 = tpu.memref_slice %arg8[%mul3A_0, %dma_wait3A_21] : memref<10240x128xf32, #tpu.memory_space<vmem_shared>> -> memref<640x128xf32, #tpu.memory_space<vmem_shared>>
        tpu.wait_dma2 semaphore(%run_scoped3A : memref<!tpu.dma_semaphore, #tpu.memory_space<semaphore_mem>>) src(%dma_wait3A_22 : memref<640x128xf32, #tpu.memory_space<vmem_shared>>) dst(%dma_wait3A_20 : memref<640x128xf32, #tpu.memory_space<hbm>>)
        tpu.yield
      }) : () -> ()
    } else {
    }
    %eq3A_12 = arith.constant 1 : i32
    %eq3A_13 = arith.cmpi eq, %arg0, %eq3A_12 : i32
    %convert_element_type3A_14 = arith.extui %eq3A_13 : i1 to i32
    %cond3A_15 = arith.constant 0 : i32
    %cond3A_16 = arith.cmpi ne, %convert_element_type3A_14, %cond3A_15 : i32
    scf.if %cond3A_16 {
      "tpu.region"() ({
        %run_scoped3A = tpu.sem_alloc : memref<!tpu.dma_semaphore, #tpu.memory_space<semaphore_mem>>
        %dma_start3A = arith.constant 0 : i32
        %dma_start3A_17 = tpu.memref_slice %arg7[%mul3A_0, %dma_start3A] : memref<10240x128xf32, #tpu.memory_space<hbm>> -> memref<640x128xf32, #tpu.memory_space<hbm>>
        %dma_start3A_18 = arith.constant 0 : i32
        %dma_start3A_19 = tpu.memref_slice %arg8[%mul3A_0, %dma_start3A_18] : memref<10240x128xf32, #tpu.memory_space<vmem_shared>> -> memref<640x128xf32, #tpu.memory_space<vmem_shared>>
        tpu.enqueue_dma source(%dma_start3A_19 : memref<640x128xf32, #tpu.memory_space<vmem_shared>>) target(%dma_start3A_17 : memref<640x128xf32, #tpu.memory_space<hbm>>) target_semaphore(%run_scoped3A : memref<!tpu.dma_semaphore, #tpu.memory_space<semaphore_mem>>)
        %dma_wait3A = arith.constant 0 : i32
        %dma_wait3A_20 = tpu.memref_slice %arg7[%mul3A_0, %dma_wait3A] : memref<10240x128xf32, #tpu.memory_space<hbm>> -> memref<640x128xf32, #tpu.memory_space<hbm>>
        %dma_wait3A_21 = arith.constant 0 : i32
        %dma_wait3A_22 = tpu.memref_slice %arg8[%mul3A_0, %dma_wait3A_21] : memref<10240x128xf32, #tpu.memory_space<vmem_shared>> -> memref<640x128xf32, #tpu.memory_space<vmem_shared>>
        tpu.wait_dma2 semaphore(%run_scoped3A : memref<!tpu.dma_semaphore, #tpu.memory_space<semaphore_mem>>) src(%dma_wait3A_22 : memref<640x128xf32, #tpu.memory_space<vmem_shared>>) dst(%dma_wait3A_20 : memref<640x128xf32, #tpu.memory_space<hbm>>)
        tpu.yield
      }) : () -> ()
    } else {
    }
    return
  }
}

module attributes {stable_mosaic.version = 14 : i64} {
  func.func @_k2_body(%arg0: i32, %arg1: memref<400x128xf32, #tpu.memory_space<vmem>>, %arg2: memref<400x128xf32, #tpu.memory_space<vmem>>, %arg3: memref<400x128xf32, #tpu.memory_space<vmem>>, %arg4: memref<400x128xf32, #tpu.memory_space<vmem>>) attributes {dimension_semantics = [#tpu.dimension_semantics<arbitrary>], iteration_bounds = array<i64: 25>, scalar_prefetch = 0 : i64, scratch_operands = 0 : i64, tpu.core_type = #tpu.core_type<tc>, window_params = [{transform_indices = @transform_0, window_bounds = array<i64: 400, 128>}, {transform_indices = @transform_1, window_bounds = array<i64: 400, 128>}, {transform_indices = @transform_2, window_bounds = array<i64: 400, 128>}, {transform_indices = @transform_3, window_bounds = array<i64: 400, 128>}]} {
    %get3A = arith.constant 0 : index
    %get3A_0 = arith.constant 0 : index
    %get3A_1 = vector.load %arg2[%get3A, %get3A_0] : memref<400x128xf32, #tpu.memory_space<vmem>>, vector<400x128xf32>
    %get3A_2 = arith.constant 0 : index
    %get3A_3 = arith.constant 0 : index
    %get3A_4 = vector.load %arg3[%get3A_2, %get3A_3] : memref<400x128xf32, #tpu.memory_space<vmem>>, vector<400x128xf32>
    %slice3A = vector.extract_strided_slice %get3A_1 {offsets = [0, 0], sizes = [400, 1], strides = [1, 1]} : vector<400x128xf32> to vector<400x1xf32>
    %add3A = arith.constant 1.000000e+00 : f32
    %add3A_5 = vector.broadcast %add3A : f32 to vector<400x1xf32>
    %add3A_6 = arith.addf %add3A_5, %slice3A : vector<400x1xf32>
    %slice3A_7 = vector.extract_strided_slice %get3A_4 {offsets = [0, 0], sizes = [400, 1], strides = [1, 1]} : vector<400x128xf32> to vector<400x1xf32>
    %add3A_8 = arith.addf %add3A_6, %slice3A_7 : vector<400x1xf32>
    %rsqrt3A = math.rsqrt %add3A_8 : vector<400x1xf32>
    %get3A_9 = arith.constant 0 : index
    %get3A_10 = arith.constant 0 : index
    %get3A_11 = vector.load %arg1[%get3A_9, %get3A_10] : memref<400x128xf32, #tpu.memory_space<vmem>>, vector<400x128xf32>
    %mul3A = vector.broadcast %rsqrt3A : vector<400x1xf32> to vector<400x128xf32>
    %mul3A_12 = arith.mulf %get3A_11, %mul3A : vector<400x128xf32>
    %swap3A = arith.constant 0 : index
    %swap3A_13 = arith.constant 0 : index
    %swap3A_14 = vector.load %arg4[%swap3A, %swap3A_13] : memref<400x128xf32, #tpu.memory_space<vmem>>, vector<400x128xf32>
    tpu.vector_store %arg4[%swap3A, %swap3A_13], %mul3A_12 {strides = array<i32>} : memref<400x128xf32, #tpu.memory_space<vmem>>, vector<400x128xf32>,
    return
  }
  func.func @transform_0(%arg0: i32) -> (i32, i32) {
    %c0_i32 = arith.constant 0 : i32
    %c0_i32_0 = arith.constant 0 : i32
    return %arg0, %c0_i32 : i32, i32
  }
  func.func @transform_1(%arg0: i32) -> (i32, i32) {
    %c0_i32 = arith.constant 0 : i32
    %c0_i32_0 = arith.constant 0 : i32
    return %arg0, %c0_i32 : i32, i32
  }
  func.func @transform_2(%arg0: i32) -> (i32, i32) {
    %c0_i32 = arith.constant 0 : i32
    %c0_i32_0 = arith.constant 0 : i32
    return %arg0, %c0_i32 : i32, i32
  }
  func.func @transform_3(%arg0: i32) -> (i32, i32) {
    %c0_i32 = arith.constant 0 : i32
    %c0_i32_0 = arith.constant 0 : i32
    return %arg0, %c0_i32 : i32, i32
  }
}

module attributes {stable_mosaic.version = 14 : i64} {
  func.func @_k4_body(%arg0: i32, %arg1: memref<400x128xf32, #tpu.memory_space<vmem>>, %arg2: memref<400x128xf32, #tpu.memory_space<vmem>>, %arg3: memref<400x128xf32, #tpu.memory_space<vmem>>, %arg4: memref<400x128xf32, #tpu.memory_space<vmem>>, %arg5: memref<400x128xf32, #tpu.memory_space<vmem>>, %arg6: memref<128x256xf32, #tpu.memory_space<vmem>>, %arg7: memref<1x256xf32, #tpu.memory_space<vmem>>, %arg8: memref<400x128xf32, #tpu.memory_space<vmem>>, %arg9: memref<400x128xf32, #tpu.memory_space<vmem>>) attributes {dimension_semantics = [#tpu.dimension_semantics<arbitrary>], iteration_bounds = array<i64: 25>, scalar_prefetch = 0 : i64, scratch_operands = 0 : i64, tpu.core_type = #tpu.core_type<tc>, window_params = [{transform_indices = @transform_0, window_bounds = array<i64: 400, 128>}, {transform_indices = @transform_1, window_bounds = array<i64: 400, 128>}, {transform_indices = @transform_2, window_bounds = array<i64: 400, 128>}, {transform_indices = @transform_3, window_bounds = array<i64: 400, 128>}, {transform_indices = @transform_4, window_bounds = array<i64: 400, 128>}, {pipeline_mode = #tpu.pipeline_mode<synchronous>, transform_indices = @transform_5, window_bounds = array<i64: 128, 256>}, {pipeline_mode = #tpu.pipeline_mode<synchronous>, transform_indices = @transform_6, window_bounds = array<i64: 1, 256>}, {transform_indices = @transform_7, window_bounds = array<i64: 400, 128>}, {transform_indices = @transform_8, window_bounds = array<i64: 400, 128>}]} {
    %get3A = arith.constant 0 : index
    %get3A_0 = arith.constant 0 : index
    %get3A_1 = vector.load %arg4[%get3A, %get3A_0] : memref<400x128xf32, #tpu.memory_space<vmem>>, vector<400x128xf32>
    %get3A_2 = arith.constant 0 : index
    %get3A_3 = arith.constant 0 : index
    %get3A_4 = vector.load %arg5[%get3A_2, %get3A_3] : memref<400x128xf32, #tpu.memory_space<vmem>>, vector<400x128xf32>
    %slice3A = vector.extract_strided_slice %get3A_1 {offsets = [0, 0], sizes = [400, 1], strides = [1, 1]} : vector<400x128xf32> to vector<400x1xf32>
    %add3A = arith.constant 1.000000e+00 : f32
    %add3A_5 = vector.broadcast %add3A : f32 to vector<400x1xf32>
    %add3A_6 = arith.addf %add3A_5, %slice3A : vector<400x1xf32>
    %slice3A_7 = vector.extract_strided_slice %get3A_4 {offsets = [0, 0], sizes = [400, 1], strides = [1, 1]} : vector<400x128xf32> to vector<400x1xf32>
    %add3A_8 = arith.addf %add3A_6, %slice3A_7 : vector<400x1xf32>
    %rsqrt3A = math.rsqrt %add3A_8 : vector<400x1xf32>
    %get3A_9 = arith.constant 0 : index
    %get3A_10 = arith.constant 0 : index
    %get3A_11 = vector.load %arg1[%get3A_9, %get3A_10] : memref<400x128xf32, #tpu.memory_space<vmem>>, vector<400x128xf32>
    %get3A_12 = arith.constant 0 : index
    %get3A_13 = arith.constant 0 : index
    %get3A_14 = vector.load %arg2[%get3A_12, %get3A_13] : memref<400x128xf32, #tpu.memory_space<vmem>>, vector<400x128xf32>
    %add3A_15 = arith.addf %get3A_11, %get3A_14 : vector<400x128xf32>
    %get3A_16 = arith.constant 0 : index
    %get3A_17 = arith.constant 0 : index
    %get3A_18 = vector.load %arg3[%get3A_16, %get3A_17] : memref<400x128xf32, #tpu.memory_space<vmem>>, vector<400x128xf32>
    %add3A_19 = arith.addf %add3A_15, %get3A_18 : vector<400x128xf32>
    %mul3A = vector.broadcast %rsqrt3A : vector<400x1xf32> to vector<400x128xf32>
    %mul3A_20 = arith.mulf %mul3A, %add3A_19 : vector<400x128xf32>
    %get3A_21 = arith.constant 0 : index
    %get3A_22 = arith.constant 0 : index
    %get3A_23 = vector.load %arg6[%get3A_21, %get3A_22] : memref<128x256xf32, #tpu.memory_space<vmem>>, vector<128x256xf32>
    %dot_general3A = arith.constant dense<0.000000e+00> : vector<400x256xf32>
    %dot_general3A_24 = tpu.matmul %mul3A_20, %get3A_23, %dot_general3A {dimension_numbers = #tpu.dot_dimension_numbers<[1], [0], [0], [1], [0, 0, 1, 1], [], []>, transpose_lhs_hint = false} : vector<400x128xf32>, vector<128x256xf32>, vector<400x256xf32> -> vector<400x256xf32>
    %get3A_25 = arith.constant 0 : index
    %get3A_26 = arith.constant 0 : index
    %get3A_27 = vector.load %arg7[%get3A_25, %get3A_26] : memref<1x256xf32, #tpu.memory_space<vmem>>, vector<1x256xf32>
    %add3A_28 = vector.broadcast %get3A_27 : vector<1x256xf32> to vector<400x256xf32>
    %add3A_29 = arith.addf %dot_general3A_24, %add3A_28 : vector<400x256xf32>
    %max3A = arith.constant 0.000000e+00 : f32
    %max3A_30 = vector.broadcast %max3A : f32 to vector<400x256xf32>
    %max3A_31 = arith.maximumf %add3A_29, %max3A_30 : vector<400x256xf32>
    %mul3A_32 = vector.broadcast %rsqrt3A : vector<400x1xf32> to vector<400x256xf32>
    %mul3A_33 = arith.mulf %mul3A_32, %max3A_31 : vector<400x256xf32>
    %slice3A_34 = vector.extract_strided_slice %mul3A_33 {offsets = [0, 0], sizes = [400, 128], strides = [1, 1]} : vector<400x256xf32> to vector<400x128xf32>
    %swap3A = arith.constant 0 : index
    %swap3A_35 = arith.constant 0 : index
    %swap3A_36 = vector.load %arg8[%swap3A, %swap3A_35] : memref<400x128xf32, #tpu.memory_space<vmem>>, vector<400x128xf32>
    tpu.vector_store %arg8[%swap3A, %swap3A_35], %slice3A_34 {strides = array<i32>} : memref<400x128xf32, #tpu.memory_space<vmem>>, vector<400x128xf32>,
    %slice3A_37 = vector.extract_strided_slice %mul3A_33 {offsets = [0, 128], sizes = [400, 128], strides = [1, 1]} : vector<400x256xf32> to vector<400x128xf32>
    %swap3A_38 = arith.constant 0 : index
    %swap3A_39 = arith.constant 0 : index
    %swap3A_40 = vector.load %arg9[%swap3A_38, %swap3A_39] : memref<400x128xf32, #tpu.memory_space<vmem>>, vector<400x128xf32>
    tpu.vector_store %arg9[%swap3A_38, %swap3A_39], %slice3A_37 {strides = array<i32>} : memref<400x128xf32, #tpu.memory_space<vmem>>, vector<400x128xf32>,
    return
  }
  func.func @transform_0(%arg0: i32) -> (i32, i32) {
    %c0_i32 = arith.constant 0 : i32
    %c0_i32_0 = arith.constant 0 : i32
    return %arg0, %c0_i32 : i32, i32
  }
  func.func @transform_1(%arg0: i32) -> (i32, i32) {
    %c0_i32 = arith.constant 0 : i32
    %c0_i32_0 = arith.constant 0 : i32
    return %arg0, %c0_i32 : i32, i32
  }
  func.func @transform_2(%arg0: i32) -> (i32, i32) {
    %c0_i32 = arith.constant 0 : i32
    %c0_i32_0 = arith.constant 0 : i32
    return %arg0, %c0_i32 : i32, i32
  }
  func.func @transform_3(%arg0: i32) -> (i32, i32) {
    %c0_i32 = arith.constant 0 : i32
    %c0_i32_0 = arith.constant 0 : i32
    return %arg0, %c0_i32 : i32, i32
  }
  func.func @transform_4(%arg0: i32) -> (i32, i32) {
    %c0_i32 = arith.constant 0 : i32
    %c0_i32_0 = arith.constant 0 : i32
    return %arg0, %c0_i32 : i32, i32
  }
  func.func @transform_5(%arg0: i32) -> (i32, i32) {
    %c0_i32 = arith.constant 0 : i32
    %c0_i32_0 = arith.constant 0 : i32
    %c0_i32_1 = arith.constant 0 : i32
    return %c0_i32, %c0_i32_0 : i32, i32
  }
  func.func @transform_6(%arg0: i32) -> (i32, i32) {
    %c0_i32 = arith.constant 0 : i32
    %c0_i32_0 = arith.constant 0 : i32
    %c0_i32_1 = arith.constant 0 : i32
    return %c0_i32, %c0_i32_0 : i32, i32
  }
  func.func @transform_7(%arg0: i32) -> (i32, i32) {
    %c0_i32 = arith.constant 0 : i32
    %c0_i32_0 = arith.constant 0 : i32
    return %arg0, %c0_i32 : i32, i32
  }
  func.func @transform_8(%arg0: i32) -> (i32, i32) {
    %c0_i32 = arith.constant 0 : i32
    %c0_i32_0 = arith.constant 0 : i32
    return %arg0, %c0_i32 : i32, i32
  }
}

module attributes {stable_mosaic.version = 14 : i64} {
  func.func @_k6_body(%arg0: i32, %arg1: memref<400x128xf32, #tpu.memory_space<vmem>>, %arg2: memref<400x128xf32, #tpu.memory_space<vmem>>, %arg3: memref<400x128xf32, #tpu.memory_space<vmem>>, %arg4: memref<400x128xf32, #tpu.memory_space<vmem>>, %arg5: memref<400x128xf32, #tpu.memory_space<vmem>>, %arg6: memref<400x128xf32, #tpu.memory_space<vmem>>, %arg7: memref<256x256xf32, #tpu.memory_space<vmem>>, %arg8: memref<1x256xf32, #tpu.memory_space<vmem>>, %arg9: memref<256x128xf32, #tpu.memory_space<vmem>>, %arg10: memref<1x128xf32, #tpu.memory_space<vmem>>, %arg11: memref<400x128xf32, #tpu.memory_space<vmem>>) attributes {dimension_semantics = [#tpu.dimension_semantics<arbitrary>], iteration_bounds = array<i64: 25>, scalar_prefetch = 0 : i64, scratch_operands = 0 : i64, tpu.core_type = #tpu.core_type<tc>, window_params = [{transform_indices = @transform_0, window_bounds = array<i64: 400, 128>}, {transform_indices = @transform_1, window_bounds = array<i64: 400, 128>}, {transform_indices = @transform_2, window_bounds = array<i64: 400, 128>}, {transform_indices = @transform_3, window_bounds = array<i64: 400, 128>}, {transform_indices = @transform_4, window_bounds = array<i64: 400, 128>}, {transform_indices = @transform_5, window_bounds = array<i64: 400, 128>}, {pipeline_mode = #tpu.pipeline_mode<synchronous>, transform_indices = @transform_6, window_bounds = array<i64: 256, 256>}, {pipeline_mode = #tpu.pipeline_mode<synchronous>, transform_indices = @transform_7, window_bounds = array<i64: 1, 256>}, {pipeline_mode = #tpu.pipeline_mode<synchronous>, transform_indices = @transform_8, window_bounds = array<i64: 256, 128>}, {pipeline_mode = #tpu.pipeline_mode<synchronous>, transform_indices = @transform_9, window_bounds = array<i64: 1, 128>}, {transform_indices = @transform_10, window_bounds = array<i64: 400, 128>}]} {
    %get3A = arith.constant 0 : index
    %get3A_0 = arith.constant 0 : index
    %get3A_1 = vector.load %arg5[%get3A, %get3A_0] : memref<400x128xf32, #tpu.memory_space<vmem>>, vector<400x128xf32>
    %get3A_2 = arith.constant 0 : index
    %get3A_3 = arith.constant 0 : index
    %get3A_4 = vector.load %arg6[%get3A_2, %get3A_3] : memref<400x128xf32, #tpu.memory_space<vmem>>, vector<400x128xf32>
    %slice3A = vector.extract_strided_slice %get3A_1 {offsets = [0, 0], sizes = [400, 1], strides = [1, 1]} : vector<400x128xf32> to vector<400x1xf32>
    %add3A = arith.constant 1.000000e+00 : f32
    %add3A_5 = vector.broadcast %add3A : f32 to vector<400x1xf32>
    %add3A_6 = arith.addf %add3A_5, %slice3A : vector<400x1xf32>
    %slice3A_7 = vector.extract_strided_slice %get3A_4 {offsets = [0, 0], sizes = [400, 1], strides = [1, 1]} : vector<400x128xf32> to vector<400x1xf32>
    %add3A_8 = arith.addf %add3A_6, %slice3A_7 : vector<400x1xf32>
    %rsqrt3A = math.rsqrt %add3A_8 : vector<400x1xf32>
    %get3A_9 = arith.constant 0 : index
    %get3A_10 = arith.constant 0 : index
    %get3A_11 = vector.load %arg1[%get3A_9, %get3A_10] : memref<400x128xf32, #tpu.memory_space<vmem>>, vector<400x128xf32>
    %get3A_12 = arith.constant 0 : index
    %get3A_13 = arith.constant 0 : index
    %get3A_14 = vector.load %arg3[%get3A_12, %get3A_13] : memref<400x128xf32, #tpu.memory_space<vmem>>, vector<400x128xf32>
    %add3A_15 = arith.addf %get3A_11, %get3A_14 : vector<400x128xf32>
    %mul3A = vector.broadcast %rsqrt3A : vector<400x1xf32> to vector<400x128xf32>
    %mul3A_16 = arith.mulf %mul3A, %add3A_15 : vector<400x128xf32>
    %get3A_17 = arith.constant 0 : index
    %get3A_18 = arith.constant 0 : index
    %get3A_19 = vector.load %arg2[%get3A_17, %get3A_18] : memref<400x128xf32, #tpu.memory_space<vmem>>, vector<400x128xf32>
    %get3A_20 = arith.constant 0 : index
    %get3A_21 = arith.constant 0 : index
    %get3A_22 = vector.load %arg4[%get3A_20, %get3A_21] : memref<400x128xf32, #tpu.memory_space<vmem>>, vector<400x128xf32>
    %add3A_23 = arith.addf %get3A_19, %get3A_22 : vector<400x128xf32>
    %mul3A_24 = vector.broadcast %rsqrt3A : vector<400x1xf32> to vector<400x128xf32>
    %mul3A_25 = arith.mulf %mul3A_24, %add3A_23 : vector<400x128xf32>
    %concatenate3A = tpu.concatenate %mul3A_16, %mul3A_25 in 1 : vector<400x128xf32>, vector<400x128xf32> -> vector<400x256xf32>
    %get3A_26 = arith.constant 0 : index
    %get3A_27 = arith.constant 0 : index
    %get3A_28 = vector.load %arg7[%get3A_26, %get3A_27] : memref<256x256xf32, #tpu.memory_space<vmem>>, vector<256x256xf32>
    %dot_general3A = arith.constant dense<0.000000e+00> : vector<400x256xf32>
    %dot_general3A_29 = tpu.matmul %concatenate3A, %get3A_28, %dot_general3A {dimension_numbers = #tpu.dot_dimension_numbers<[1], [0], [0], [1], [0, 0, 1, 1], [], []>, transpose_lhs_hint = false} : vector<400x256xf32>, vector<256x256xf32>, vector<400x256xf32> -> vector<400x256xf32>
    %get3A_30 = arith.constant 0 : index
    %get3A_31 = arith.constant 0 : index
    %get3A_32 = vector.load %arg8[%get3A_30, %get3A_31] : memref<1x256xf32, #tpu.memory_space<vmem>>, vector<1x256xf32>
    %add3A_33 = vector.broadcast %get3A_32 : vector<1x256xf32> to vector<400x256xf32>
    %add3A_34 = arith.addf %dot_general3A_29, %add3A_33 : vector<400x256xf32>
    %max3A = arith.constant 0.000000e+00 : f32
    %max3A_35 = vector.broadcast %max3A : f32 to vector<400x256xf32>
    %max3A_36 = arith.maximumf %add3A_34, %max3A_35 : vector<400x256xf32>
    %get3A_37 = arith.constant 0 : index
    %get3A_38 = arith.constant 0 : index
    %get3A_39 = vector.load %arg9[%get3A_37, %get3A_38] : memref<256x128xf32, #tpu.memory_space<vmem>>, vector<256x128xf32>
    %dot_general3A_40 = arith.constant dense<0.000000e+00> : vector<400x128xf32>
    %dot_general3A_41 = tpu.matmul %max3A_36, %get3A_39, %dot_general3A_40 {dimension_numbers = #tpu.dot_dimension_numbers<[1], [0], [0], [1], [0, 0, 1, 1], [], []>, transpose_lhs_hint = false} : vector<400x256xf32>, vector<256x128xf32>, vector<400x128xf32> -> vector<400x128xf32>
    %get3A_42 = arith.constant 0 : index
    %get3A_43 = arith.constant 0 : index
    %get3A_44 = vector.load %arg10[%get3A_42, %get3A_43] : memref<1x128xf32, #tpu.memory_space<vmem>>, vector<1x128xf32>
    %add3A_45 = vector.broadcast %get3A_44 : vector<1x128xf32> to vector<400x128xf32>
    %add3A_46 = arith.addf %dot_general3A_41, %add3A_45 : vector<400x128xf32>
    %swap3A = arith.constant 0 : index
    %swap3A_47 = arith.constant 0 : index
    %swap3A_48 = vector.load %arg11[%swap3A, %swap3A_47] : memref<400x128xf32, #tpu.memory_space<vmem>>, vector<400x128xf32>
    tpu.vector_store %arg11[%swap3A, %swap3A_47], %add3A_46 {strides = array<i32>} : memref<400x128xf32, #tpu.memory_space<vmem>>, vector<400x128xf32>,
    return
  }
  func.func @transform_0(%arg0: i32) -> (i32, i32) {
    %c0_i32 = arith.constant 0 : i32
    %c0_i32_0 = arith.constant 0 : i32
    return %arg0, %c0_i32 : i32, i32
  }
  func.func @transform_1(%arg0: i32) -> (i32, i32) {
    %c0_i32 = arith.constant 0 : i32
    %c0_i32_0 = arith.constant 0 : i32
    return %arg0, %c0_i32 : i32, i32
  }
  func.func @transform_2(%arg0: i32) -> (i32, i32) {
    %c0_i32 = arith.constant 0 : i32
    %c0_i32_0 = arith.constant 0 : i32
    return %arg0, %c0_i32 : i32, i32
  }
  func.func @transform_3(%arg0: i32) -> (i32, i32) {
    %c0_i32 = arith.constant 0 : i32
    %c0_i32_0 = arith.constant 0 : i32
    return %arg0, %c0_i32 : i32, i32
  }
  func.func @transform_4(%arg0: i32) -> (i32, i32) {
    %c0_i32 = arith.constant 0 : i32
    %c0_i32_0 = arith.constant 0 : i32
    return %arg0, %c0_i32 : i32, i32
  }
  func.func @transform_5(%arg0: i32) -> (i32, i32) {
    %c0_i32 = arith.constant 0 : i32
    %c0_i32_0 = arith.constant 0 : i32
    return %arg0, %c0_i32 : i32, i32
  }
  func.func @transform_6(%arg0: i32) -> (i32, i32) {
    %c0_i32 = arith.constant 0 : i32
    %c0_i32_0 = arith.constant 0 : i32
    %c0_i32_1 = arith.constant 0 : i32
    return %c0_i32, %c0_i32_0 : i32, i32
  }
  func.func @transform_7(%arg0: i32) -> (i32, i32) {
    %c0_i32 = arith.constant 0 : i32
    %c0_i32_0 = arith.constant 0 : i32
    %c0_i32_1 = arith.constant 0 : i32
    return %c0_i32, %c0_i32_0 : i32, i32
  }
  func.func @transform_8(%arg0: i32) -> (i32, i32) {
    %c0_i32 = arith.constant 0 : i32
    %c0_i32_0 = arith.constant 0 : i32
    %c0_i32_1 = arith.constant 0 : i32
    return %c0_i32, %c0_i32_0 : i32, i32
  }
  func.func @transform_9(%arg0: i32) -> (i32, i32) {
    %c0_i32 = arith.constant 0 : i32
    %c0_i32_0 = arith.constant 0 : i32
    %c0_i32_1 = arith.constant 0 : i32
    return %c0_i32, %c0_i32_0 : i32, i32
  }
  func.func @transform_10(%arg0: i32) -> (i32, i32) {
    %c0_i32 = arith.constant 0 : i32
    %c0_i32_0 = arith.constant 0 : i32
    return %arg0, %c0_i32 : i32, i32
  }
}

</mosaic_0001>

<sc_bundles>
// kernel: kernel.11.cloned.1.call-start
scs
__scs_entry_jumppad:
0x0: {  	(pc) =	sbr.rel $0x88, $3  }
0x1: {  	(tag) =	ssettag $0x0;
	lr =	simm.s32 $0x1  }
0x2: {  	[smem:$0x3F99] =	sst lr;
	_ =	strace $0xD0000000  }
0x3: {  	_ = 	snop  }
0x4: {  	_ = 	snop  }
0x5: {  	_ = 	snop  }
0x6: {  	_ = 	snop  }
0x7: {  	_ = 	snop  }
__scs_overlays_trampoline_lowered:
0x8: {  	[smem:$0x3FA8] =	sst s0  }
0x9: {  	[smem:$0x3FA9] =	sst s1  }
0xa: {  	[smem:$0x3FAA] =	sst s2  }
0xb: {  	[smem:$0x3FAB] =	sst s3  }
0xc: {  	[smem:$0x3FAC] =	sst s4  }
0xd: {  	[smem:$0x3FAD] =	sst s5  }
0xe: {  	[smem:$0x3FAE] =	sst s6  }
0xf: {  	[smem:$0x3FAF] =	sst s7  }
0x10: {  	[smem:$0x3FB0] =	sst s8  }
0x11: {  	[smem:$0x3FB1] =	sst s9;
	s0 =	simm.s32 @!p0 $0x0  }
0x12: {  	s1 =	sld [smem:$0x3F97];
	s0 =	simm.s32 @p0 $0x1  }
0x13: {  	[smem:$0x3FB2] =	sst s0;
	s0 =	simm.s32 @!p1 $0x0  }
0x14: {  	s2 =	sld [smem:$0x3F96];
	s0 =	simm.s32 @p1 $0x1  }
0x15: {  	[smem:$0x3FB3] =	sst s0;
	s0 =	simm.s32 @!p2 $0x0  }
0x16: {  	s3 =	sld [smem:$0x3FDB];
	s0 =	simm.s32 @p2 $0x1  }
0x17: {  	s4 =	simm.s32 $0x1BF5;
	[smem:$0x3FB5] =	sst s0  }
0x18: {  	s0 =	sld [smem:$0x3F98];
	_ =	swait.ge [sflag:s4], $0x0  }
0x19: {  	s7 =	sld [smem:$0x3F99]  }
0x1a: {  	s8 =	sadd.s32 $0xFFFFE003, lr  }
0x1b: {  	s9 =	sadd.s32 $0xFFFFFEF7, lr;
	s5 =	simm.s32 $0xFFFFFFFF;
	p2 =	slt.u32 s8, $0xFFFFF086  }
0x1c: {  	p1 =	slt.u32 s9, $0xF7A;
	s5 =	simm.s32 @!p2 $0x0  }
0x1d: {  	s5 =	simm.s32 @p1 $0x1;
	p0 =	seq.s32 s7, s2  }
0x1e: {  	s7 =	smul.u32 @!p0 $0xF7A, s2;
	p2 =	seq.s32 @!p0 s5, $0x0  }
0x1f: {  	s9 =	smul.u32 $0xF7A, s1;
	s8 =	simm.s32 @!p0 $0x1BF5;
	p2 =	por !p2, p0  }
0x20: {  	[sflag:s8] =	ssyncset.s32 @!p0 $0xFFFFF086;
	s6 =	sadd.s32 @!p0 s3, s7;
	s7 =	simm.s32 @!p0 $0x108  }
0x21: {  	s3 =	sadd.s32 s3, s9;
	s6 =	sadd.s32 @!p0 $0x88, s6;
	s7 =	simm.s32 @p2 $0x1082  }
0x22: {  	[simem:s7], [sflag:s8] =	dma.local @!p0 [hbm:s6], $0xF7A  }
0x23: {  	s9 =	sor.u32 $0xD0000000, s2;
	s6 =	simm.s32 $0x108;
	_ =	swait.ge @!p0 [sflag:s8], $0x0  }
0x24: {  	s3 =	sadd.s32 $0x88, s3;
	s6 =	simm.s32 @!p1 $0x1082;
	[sflag:s4] =	ssyncset.s32 $0xFFFFF086  }
0x25: {  	[simem:s6], [sflag:s4] =	dma.local [hbm:s3], $0xF7A  }
0x26: {  	[smem:$0x3F99] =	sst s1;
	(tag) =	ssettag s2;
	_ =	strace s9  }
0x27: {  	s1 =	sld [smem:$0x3FA9]  }
0x28: {  	s2 =	sld [smem:$0x3FAA]  }
0x29: {  	s4 =	sld [smem:$0x3FAC]  }
0x2a: {  	p0 =	seq.s32 s5, $0x0;
	s5 =	sld [smem:$0x3FAD]  }
0x2b: {  	s6 =	sld [smem:$0x3FAE]  }
0x2c: {  	s7 =	sld [smem:$0x3FAF]  }
0x2d: {  	s3 =	simm.s32 $0x108;
	s8 =	sld [smem:$0x3FB0]  }
0x2e: {  	s3 =	simm.s32 @!p0 $0x1082;
	s9 =	sld [smem:$0x3FB1]  }
0x2f: {  	lr =	sadd.s32 s0, s3;
	s0 =	sld [smem:$0x3FA8]  }
0x30: {  	s3 =	sld [smem:$0x3FAB]  }
0x31: {  	[smem:$0x3FB4] =	sst s10  }
0x32: {  	s10 =	sld [smem:$0x3FB2];
	_ =	sdelay $0x3  }
0x33: {  	p0 =	seq.s32 s10, $0x1;
	s10 =	sld [smem:$0x3FB4];
	_ =	sdelay $0x3  }
0x34: {  	[smem:$0x3FB4] =	sst s10  }
0x35: {  	s10 =	sld [smem:$0x3FB3];
	_ =	sdelay $0x3  }
0x36: {  	p1 =	seq.s32 s10, $0x1;
	s10 =	sld [smem:$0x3FB4];
	_ =	sdelay $0x3  }
0x37: {  	[smem:$0x3FB4] =	sst s10  }
0x38: {  	s10 =	sld [smem:$0x3FB5]  }
0x39: {  	_ = 	snop;
	(pc) =	sbr.ind lr, $3  }
0x3a: {  	_ = 	snop  }
0x3b: {  	_ = 	snop  }
0x3c: {  	p2 =	seq.s32 s10, $0x1;
	s10 =	sld [smem:$0x3FB4]  }
0x3d: {  	_ =	shalt  }
0x3e: {  	_ =	shalt  }
0x3f: {  	_ =	shalt  }
0x40: {  	_ =	shalt  }
0x41: {  	_ =	shalt  }
0x42: {  	_ =	shalt  }
0x43: {  	_ =	shalt  }
0x44: {  	_ =	shalt  }
0x45: {  	_ =	shalt  }
0x46: {  	_ =	shalt  }
0x47: {  	_ =	shalt  }
0x48: {  	_ =	shalt  }
0x49: {  	_ =	shalt  }
0x4a: {  	_ =	shalt  }
0x4b: {  	_ =	shalt  }
0x4c: {  	_ =	shalt  }
0x4d: {  	_ =	shalt  }
0x4e: {  	_ =	shalt  }
0x4f: {  	_ =	shalt  }
0x50: {  	_ =	shalt  }
0x51: {  	_ =	shalt  }
0x52: {  	_ =	shalt  }
0x53: {  	_ =	shalt  }
0x54: {  	_ =	shalt  }
0x55: {  	_ =	shalt  }
0x56: {  	_ =	shalt  }
0x57: {  	_ =	shalt  }
0x58: {  	_ =	shalt  }
0x59: {  	_ =	shalt  }
0x5a: {  	_ =	shalt  }
0x5b: {  	_ =	shalt  }
0x5c: {  	_ =	shalt  }
0x5d: {  	_ =	shalt  }
0x5e: {  	_ =	shalt  }
0x5f: {  	_ =	shalt  }
0x60: {  	_ =	shalt  }
0x61: {  	_ =	shalt  }
0x62: {  	_ =	shalt  }
0x63: {  	_ =	shalt  }
0x64: {  	_ =	shalt  }
0x65: {  	_ =	shalt  }
0x66: {  	_ =	shalt  }
0x67: {  	_ =	shalt  }
0x68: {  	_ =	shalt  }
0x69: {  	_ =	shalt  }
0x6a: {  	_ =	shalt  }
0x6b: {  	_ =	shalt  }
0x6c: {  	_ =	shalt  }
0x6d: {  	_ =	shalt  }
0x6e: {  	_ =	shalt  }
0x6f: {  	_ =	shalt  }
0x70: {  	_ =	shalt  }
0x71: {  	_ =	shalt  }
0x72: {  	_ =	shalt  }
0x73: {  	_ =	shalt  }
0x74: {  	_ =	shalt  }
0x75: {  	_ =	shalt  }
0x76: {  	_ =	shalt  }
0x77: {  	_ =	shalt  }
0x78: {  	_ =	shalt  }
0x79: {  	_ =	shalt  }
0x7a: {  	_ =	shalt  }
0x7b: {  	_ =	shalt  }
0x7c: {  	_ =	shalt  }
0x7d: {  	_ =	shalt  }
0x7e: {  	_ =	shalt  }
0x7f: {  	_ =	shalt  }
0x80: {  	_ =	shalt  }
0x81: {  	_ =	shalt  }
0x82: {  	_ =	shalt  }
0x83: {  	_ =	shalt  }
0x84: {  	_ =	shalt  }
0x85: {  	_ =	shalt  }
0x86: {  	_ =	shalt  }
0x87: {  	_ =	shalt  }
.Lfunc_end0:
.L_simem_size_0:
called_computation.1_lowered:
.L_overlay_start_0:
0x88: {  	s2 =	sld [smem:$0x3FD9]  }
0x89: {  	s3 =	sld [smem:$0x3FFE];
	_ =	sdelay $0x1  }
0x8a: {  	s1 =	srdreg.scid  }
0x8b: {  	s0 =	sand.u32 $0x1, s1  }
0x8c: {  	s17 =	sshll.u32 s0, $0xA;
	s2 =	sadd.s32 s3, s2  }
0x8d: {  	s2 =	sadd.s32 s2, s17  }
0x8e: {  	[smem:$0x3FC0] =	sst s2  }
0x8f: {  	_ = 	snop  }
0x90: {  	s2 =	sld [smem:$0x3FD0];
	(tm) =	ssettm $0x1  }
0x91: {  	s18 =	sld [smem:$0x3FFB];
	_ =	sdelay $0x3  }
0x92: {  	_ =	strace s18  }
0x93: {  	s3 =	sld [smem:$0x3FFC];
	_ =	sdelay $0x3  }
0x94: {  	_ =	strace s3  }
0x95: {  	s3 =	sld [smem:$0x3FFD];
	_ =	sdelay $0x3  }
0x96: {  	_ =	strace s3  }
0x97: {  	_ =	strace $0x8FFFFFFF  }
0x98: {  	s19 =	sld [smem:$0x3FDB];
	_ =	sdelay $0x1  }
0x99: {  	s4 =	simm.s32 $_scs_section_size  }
0x9a: {  	s5 =	simm.s32 $_size__tile_overlayer_lowered;
	s6 =	simm.s32 $_tile_overlayer_lowered  }
0x9b: {  	s22 =	simm.s32 $0x1BFF;
	s21 =	sshll.u32 s6, $0x1;
	s3 =	sadd.s32 s4, s19  }
0x9c: {  	s7 =	simm.s32 $0x0;
	s20 =	sshll.u32 s5, $0x1;
	s5 =	sadd.s32 s21, s3  }
0x9d: {  	[timem:s7], [sflag:s22] =	dma.local [hbm:s5], s20  }
0x9e: {  	_ =	swait.ge [sflag:s22], s20  }
0x9f: {  	s4 =	ssub.s32 $0x0, s20;
	[sflag:s22] =	ssyncset.done $0x0  }
0xa0: {  	[sflag:s22] =	ssyncadd.s32 s4;
	_ =	sdelay $0x1  }
0xa1: {  	s23 =	simm.s32 $0x1B8B  }
0xa2: {  	_ =	swait.ge [sflag:s23], $0x1  }
0xa3: {  	[sflag:s23] =	ssyncset.done $0x0  }
0xa4: {  	s25 =	simm.s32 $0x1B8E;
	s24 =	sld [smem:$0x3FFE];
	[sflag:s23] =	ssyncadd.s32 $0xFFFFFFFF  }
0xa5: {  	s26 =	simm.s32 $execute0_lowered;
	[smem:$0x3FD2] =	sst s25  }
0xa6: {  	s5 =	sshll.u32 s26, $0x1;
	_ =	strace $0x80000049;
	[dreg:$0x1] =	wrdreg $0xFFFFFFFF  }
0xa7: {  	s28 =	simm.s32 $_size_execute0_lowered;
	s3 =	sadd.s32 s3, s5;
	[dreg:$0x0] =	wrdreg $0x0  }
0xa8: {  	s5 =	sshll.u32 s28, $0x1;
	[dreg:$0x2] =	wrdreg s3  }
0xa9: {  	[dreg:$0x3] =	wrdreg s5  }
0xaa: {  	[dreg:$0x4] =	wrdreg $0xC0  }
0xab: {  	_ =	task [dreg:s7], $0x5FFFF  }
0xac: {  	[dreg:$0x1] =	wrdreg $0xFFFFFFFF  }
0xad: {  	[dreg:$0x0] =	wrdreg $0x60  }
0xae: {  	[dreg:$0x2] =	wrdreg s2  }
0xaf: {  	[dreg:$0x3] =	wrdreg s24  }
0xb0: {  	[dreg:$0x4] =	wrdreg $0x0  }
0xb1: {  	[dreg:$0x5] =	wrdreg $0x9  }
0xb2: {  	_ =	task.clear_ibuf [dreg:s7], $0x6FFFF;
	_ =	strace $0x90000049  }
0xb3: {  	s29 =	simm.s32 $0x9;
	_ =	strace $0x8000004B  }
0xb4: {  	_ =	swait.ge [sflag:s29], $0x1  }
0xb5: {  	[sflag:s29] =	ssyncadd.s32 $0xFFFFFFFF  }
0xb6: {  	_ =	strace $0x9000004B  }
0xb7: {  	_ =	sfence  }
0xb8: {  	s30 =	sld [smem:$0x0];
	_ =	sdelay $0x2  }
0xb9: {  	s31 =	sshll.u32 s1, $0xD;
	s1 =	sshrl.u32 s1, $0x2  }
0xba: {  	s3 =	sand.u32 $0x4000, s31;
	s1 =	sadd.s32 s1, s30  }
0xbb: {  	s0 =	sor.u32 s3, s0;
	s1 =	sshll.u32 s1, $0x11  }
0xbc: {  	s0 =	sor.u32 s1, s0  }
0xbd: {  	s0 =	sadd.s32 $0x8F2B, s0  }
0xbe: {  	[sflag:s0] =	ssyncadd.remote.s32 $0x1  }
0xbf: {  	_ =	sfence.sel $0xFFFF  }
0xc0: {  	[dreg:$0x0] =	wrdreg $0xFFFFFFFF;
	(pc) =	sbr.abs _section_cstart, $3  }
0xc1: {  	[dreg:$0x1] =	wrdreg $0xFFFFFFFF  }
0xc2: {  	_ =	task.clear_ibuf [dreg:s7], $0x2FFFF;
	_ =	strace $0x9FFFFFFF  }
0xc3: {  	(tm) =	ssettm $0x7FFFFFFF  }
tec
execute0_lowered:
.L_overlay_start_1:
0x0: {  	(tag) =	ssettag $0x1  }
0x1: {  	s2 =	rddreg [dreg:$0x0]  }
0x2: {  	s5 =	rddreg [dreg:$0x1]  }
0x3: {  	s3 =	rddreg [dreg:$0x2]  }
0x4: {  	s0 =	rddreg [dreg:$0x3];
	s1 =	stileid.u32  }
0x5: {  	s6 =	srdreg.scid;
	s4 =	simm.s32 $0x0;
	s16 =	simm.s32 $0xB9000  }
0x6: {  	s17 =	simm.s32 $0x80;
	s18 =	simm.s32 $0x16800;
	s19 =	simm.s32 $0x1A800  }
0x7: {  	s20 =	simm.s32 $0x1;
	s21 =	simm.s32 $0x2;
	s7 =	smul.u32 $0x2800, s1  }
0x8: {  	s22 =	simm.s32 $0x0;
	s8 =	sand.u32 $0x1, s6;
	s10 =	smul.u32 $0x50, s1  }
0x9: {  	[smem:$0x7FF] =	sst s4;
	s11 =	sadd.s32 $0xF000, s5;
	s13 =	smul.u32 $0x50000, s1  }
0xa: {  	s14 =	sadd.s32 $0x5000, s5;
	s30 =	sshll.u32 s1, $0x6;
	s6 =	smul.u32 $0x500, s8  }
0xb: {  	_ =	strace $0x8000004A;
	s9 =	ssub.s32 $0x2, s8;
	p0 =	seq.s32 s8, $0x1  }
0xc: {  	s12 =	sshrl.u32 s9, $0x1;
	s15 =	sadd.s32 s7, s5;
	s29 =	sshrl.u32 s13, $0x2  }
0xd: {  	s16 =	simm.s32 @!p0 $0x91000;
	s26 =	ssub.s32 s9, s12;
	s28 =	sadd.s32 s10, s6  }
0xe: {  	s13 =	sadd.s32 s29, s3;
	s5 =	sadd.s32 $0x19000, s15;
	s6 =	sor.u32 $0x1C03, s30  }
0xf: {  	s12 =	sadd.s32 s16, s15;
	s15 =	simm.s32 $0x14000;
	s16 =	simm.s32 $0x15400  }
0x10: {  	s7 =	smax.u32 s26, $0x1;
	s9 =	sshll.u32 s28, $0x4;
	s13 =	sshrl.u32 s13, $0x3  }
0x11: {  	s8 =	sadd.s32 s11, s9;
	s31 =	sadd.s32 $0x280, s9;
	s9 =	sadd.s32 s14, s9  }
0x12: {  	s10 =	sadd.s32 s11, s31;
	s11 =	sadd.s32 s14, s31;
	s14 =	simm.s32 $0x3  }
.LBB2_1:
0x13: {  	[spmem:s13], [sflag:s6] =	dma.local [hbm:s5], $0x2800  }
0x14: {  	_ =	swait.ge [sflag:s14], $0x2800  }
0x15: {  	[sflag:s14] =	ssyncset.done $0x0  }
0x16: {  	[sflag:s14] =	ssyncadd.s32 $0xFFFFD800  }
0x17: {  	[bflag:$0x0] =	sbarrier.arrive $0xFFFF  }
0x18: {  	[tilespmem:s15], [sflag:$0x3] =	stream.linear.gather [hbm4b:s8+s4], $0x1400, $0x38;
	[tilespmem:$0x1E800] =	vst v63  }
0x19: {  	_ =	swait.ge [sflag:s14], $0x1400  }
0x1a: {  	[sflag:s14] =	ssyncset.done $0x0  }
0x1b: {  	[sflag:s14] =	ssyncadd.s32 $0xFFFFEC00  }
0x1c: {  	[tilespmem:s16], [sflag:$0x3] =	stream.linear.gather [hbm4b:s9+s4], $0x1400, $0x38;
	[tilespmem:$0x1E800] =	vst v63  }
0x1d: {  	_ =	swait.ge [sflag:s14], $0x1400  }
0x1e: {  	[sflag:s14] =	ssyncset.done $0x0  }
0x1f: {  	s23 =	simm.s32 $0x14000;
	[sflag:s14] =	ssyncadd.s32 $0xFFFFEC00  }
0x20: {  	[tilespmem:s18], [sflag:$0x1] =	stream.indirect.gather [hbm4b:s2+s17], $0x80, s23, s17, $0xb8;
	[tilespmem:$0x1E800] =	vst v63  }
0x21: {  	s29 =	simm.s32 $0x14080  }
0x22: {  	[tilespmem:s19], [sflag:$0x2] =	stream.indirect.gather [hbm4b:s2+s17], $0x80, s29, s17, $0xb8;
	[tilespmem:$0x1E800] =	vst v63  }
0x23: {  	_ =	swait.ge [sflag:s20], $0x4000  }
0x24: {  	[sflag:s20] =	ssyncset.done $0x0  }
0x25: {  	s30 =	simm.s32 $0x15400;
	[sflag:s20] =	ssyncadd.s32 $0xFFFFC000  }
0x26: {  	[spmem:s3] =	stream.indirect.scatter.add.f32 [tilespmem:s18], [sflag:$0x3], $0x80, s30, s17, $0xb8;
	[tilespmem:$0x1E800] =	vst v63  }
0x27: {  	_ =	swait.ge [sflag:s14], $0x4000  }
0x28: {  	[sflag:s14] =	ssyncset.done $0x0  }
0x29: {  	[sflag:s14] =	ssyncadd.s32 $0xFFFFC000  }
0x2a: {  	_ =	swait.ge [sflag:s21], $0x4000  }
0x2b: {  	[sflag:s21] =	ssyncset.done $0x0  }
0x2c: {  	s31 =	simm.s32 $0x15480;
	[sflag:s21] =	ssyncadd.s32 $0xFFFFC000  }
0x2d: {  	[spmem:s3] =	stream.indirect.scatter.add.f32 [tilespmem:s19], [sflag:$0x3], $0x80, s31, s17, $0xb8;
	[tilespmem:$0x1E800] =	vst v63  }
0x2e: {  	_ =	swait.ge [sflag:s14], $0x4000  }
0x2f: {  	s24 =	simm.s32 $0x800;
	s23 =	simm.s32 $0x100;
	[sflag:s14] =	ssyncset.done $0x0  }
.LBB2_2:
0x30: {  	s25 =	sadd.s32 $0x14000, s23  }
0x31: {  	[sflag:s14] =	ssyncadd.s32 $0xFFFFC000;
	s26 =	smov.u32 s24;
	s28 =	sadd.s32 $0x400, s24  }
0x32: {  	[tilespmem:s18], [sflag:$0x1] =	stream.indirect.gather [hbm4b:s2+s17], $0x80, s25, s17, $0xb8;
	[tilespmem:$0x1E800] =	vst v63  }
0x33: {  	p0 =	sne.s32 s24, $0x4C00;
	s24 =	sadd.s32 $0x14080, s23  }
0x34: {  	[tilespmem:s19], [sflag:$0x2] =	stream.indirect.gather [hbm4b:s2+s17], $0x80, s24, s17, $0xb8;
	[tilespmem:$0x1E800] =	vst v63  }
0x35: {  	_ =	swait.ge [sflag:s20], $0x4000  }
0x36: {  	[sflag:s20] =	ssyncset.done $0x0  }
0x37: {  	s24 =	sadd.s32 $0x15400, s23;
	[sflag:s20] =	ssyncadd.s32 $0xFFFFC000  }
0x38: {  	[spmem:s3] =	stream.indirect.scatter.add.f32 [tilespmem:s18], [sflag:$0x3], $0x80, s24, s17, $0xb8;
	[tilespmem:$0x1E800] =	vst v63  }
0x39: {  	_ =	swait.ge [sflag:s14], $0x4000  }
0x3a: {  	[sflag:s14] =	ssyncset.done $0x0  }
0x3b: {  	[sflag:s14] =	ssyncadd.s32 $0xFFFFC000  }
0x3c: {  	_ =	swait.ge [sflag:s21], $0x4000  }
.Ltmp0:
0x3d: {  	[sflag:s21] =	ssyncset.done $0x0;
	(pc) =	sbr.rel @p0 .LBB2_2-.Ltmp0, $4  }
0x3e: {  	s23 =	sadd.s32 $0x15480, s23;
	[sflag:s21] =	ssyncadd.s32 $0xFFFFC000  }
0x3f: {  	[spmem:s3] =	stream.indirect.scatter.add.f32 [tilespmem:s19], [sflag:$0x3], $0x80, s23, s17, $0xb8;
	[tilespmem:$0x1E800] =	vst v63  }
0x40: {  	_ =	swait.ge [sflag:s14], $0x4000  }
0x41: {  	s24 =	smov.u32 s28;
	s23 =	sshra.s32 s26, $0x2;
	[sflag:s14] =	ssyncset.done $0x0  }
0x42: {  	s24 =	sadd.s32 $0x14000, s23;
	[sflag:s14] =	ssyncadd.s32 $0xFFFFC000  }
0x43: {  	[tilespmem:s18], [sflag:$0x1] =	stream.indirect.gather [hbm4b:s2+s17], $0x80, s24, s17, $0xb8;
	[tilespmem:$0x1E800] =	vst v63  }
0x44: {  	s30 =	sadd.s32 $0x14080, s23  }
0x45: {  	[tilespmem:s19], [sflag:$0x2] =	stream.indirect.gather [hbm4b:s2+s17], $0x80, s30, s17, $0xb8;
	[tilespmem:$0x1E800] =	vst v63  }
0x46: {  	_ =	swait.ge [sflag:s20], $0x4000  }
0x47: {  	[sflag:s20] =	ssyncset.done $0x0  }
0x48: {  	s31 =	sadd.s32 $0x15400, s23;
	[sflag:s20] =	ssyncadd.s32 $0xFFFFC000  }
0x49: {  	[spmem:s3] =	stream.indirect.scatter.add.f32 [tilespmem:s18], [sflag:$0x3], $0x80, s31, s17, $0xb8;
	[tilespmem:$0x1E800] =	vst v63  }
0x4a: {  	_ =	swait.ge [sflag:s14], $0x4000  }
0x4b: {  	[sflag:s14] =	ssyncset.done $0x0  }
0x4c: {  	[sflag:s14] =	ssyncadd.s32 $0xFFFFC000  }
0x4d: {  	_ =	swait.ge [sflag:s21], $0x4000  }
0x4e: {  	[sflag:s21] =	ssyncset.done $0x0  }
0x4f: {  	s25 =	sadd.s32 $0x15480, s23;
	[sflag:s21] =	ssyncadd.s32 $0xFFFFC000  }
0x50: {  	[spmem:s3] =	stream.indirect.scatter.add.f32 [tilespmem:s19], [sflag:$0x3], $0x80, s25, s17, $0xb8;
	[tilespmem:$0x1E800] =	vst v63  }
0x51: {  	_ =	swait.ge [sflag:s14], $0x4000  }
0x52: {  	[sflag:s14] =	ssyncset.done $0x0  }
0x53: {  	s26 =	simm.s32 $0x0;
	[sflag:s14] =	ssyncadd.s32 $0xFFFFC000  }
0x54: {  	[tilespmem:s15], [sflag:$0x3] =	stream.linear.gather [hbm4b:s10+s26], $0x1400, $0x38;
	[tilespmem:$0x1E800] =	vst v63  }
0x55: {  	_ =	swait.ge [sflag:s14], $0x1400  }
0x56: {  	[sflag:s14] =	ssyncset.done $0x0  }
0x57: {  	[sflag:s14] =	ssyncadd.s32 $0xFFFFEC00  }
0x58: {  	[tilespmem:s16], [sflag:$0x3] =	stream.linear.gather [hbm4b:s11+s26], $0x1400, $0x38;
	[tilespmem:$0x1E800] =	vst v63  }
0x59: {  	_ =	swait.ge [sflag:s14], $0x1400  }
0x5a: {  	[sflag:s14] =	ssyncset.done $0x0  }
0x5b: {  	s28 =	simm.s32 $0x14000;
	[sflag:s14] =	ssyncadd.s32 $0xFFFFEC00  }
0x5c: {  	[tilespmem:s18], [sflag:$0x1] =	stream.indirect.gather [hbm4b:s2+s17], $0x80, s28, s17, $0xb8;
	[tilespmem:$0x1E800] =	vst v63  }
0x5d: {  	s29 =	simm.s32 $0x14080  }
0x5e: {  	[tilespmem:s19], [sflag:$0x2] =	stream.indirect.gather [hbm4b:s2+s17], $0x80, s29, s17, $0xb8;
	[tilespmem:$0x1E800] =	vst v63  }
0x5f: {  	_ =	swait.ge [sflag:s20], $0x4000  }
0x60: {  	[sflag:s20] =	ssyncset.done $0x0  }
0x61: {  	s30 =	simm.s32 $0x15400;
	[sflag:s20] =	ssyncadd.s32 $0xFFFFC000  }
0x62: {  	[spmem:s3] =	stream.indirect.scatter.add.f32 [tilespmem:s18], [sflag:$0x3], $0x80, s30, s17, $0xb8;
	[tilespmem:$0x1E800] =	vst v63  }
0x63: {  	_ =	swait.ge [sflag:s14], $0x4000  }
0x64: {  	[sflag:s14] =	ssyncset.done $0x0  }
0x65: {  	[sflag:s14] =	ssyncadd.s32 $0xFFFFC000  }
0x66: {  	_ =	swait.ge [sflag:s21], $0x4000  }
0x67: {  	[sflag:s21] =	ssyncset.done $0x0  }
0x68: {  	s31 =	simm.s32 $0x15480;
	[sflag:s21] =	ssyncadd.s32 $0xFFFFC000  }
0x69: {  	[spmem:s3] =	stream.indirect.scatter.add.f32 [tilespmem:s19], [sflag:$0x3], $0x80, s31, s17, $0xb8;
	[tilespmem:$0x1E800] =	vst v63  }
0x6a: {  	_ =	swait.ge [sflag:s14], $0x4000  }
0x6b: {  	s23 =	simm.s32 $0x100;
	s24 =	simm.s32 $0x800;
	[sflag:s14] =	ssyncset.done $0x0  }
.LBB2_4:
0x6c: {  	s25 =	sadd.s32 $0x14000, s23  }
0x6d: {  	[sflag:s14] =	ssyncadd.s32 $0xFFFFC000;
	s26 =	smov.u32 s24;
	s28 =	sadd.s32 $0x400, s24  }
0x6e: {  	[tilespmem:s18], [sflag:$0x1] =	stream.indirect.gather [hbm4b:s2+s17], $0x80, s25, s17, $0xb8;
	[tilespmem:$0x1E800] =	vst v63  }
0x6f: {  	p0 =	sne.s32 s24, $0x4C00;
	s24 =	sadd.s32 $0x14080, s23  }
0x70: {  	[tilespmem:s19], [sflag:$0x2] =	stream.indirect.gather [hbm4b:s2+s17], $0x80, s24, s17, $0xb8;
	[tilespmem:$0x1E800] =	vst v63  }
0x71: {  	_ =	swait.ge [sflag:s20], $0x4000  }
0x72: {  	[sflag:s20] =	ssyncset.done $0x0  }
0x73: {  	s24 =	sadd.s32 $0x15400, s23;
	[sflag:s20] =	ssyncadd.s32 $0xFFFFC000  }
0x74: {  	[spmem:s3] =	stream.indirect.scatter.add.f32 [tilespmem:s18], [sflag:$0x3], $0x80, s24, s17, $0xb8;
	[tilespmem:$0x1E800] =	vst v63  }
0x75: {  	_ =	swait.ge [sflag:s14], $0x4000  }
0x76: {  	[sflag:s14] =	ssyncset.done $0x0  }
0x77: {  	[sflag:s14] =	ssyncadd.s32 $0xFFFFC000  }
0x78: {  	_ =	swait.ge [sflag:s21], $0x4000  }
.Ltmp1:
0x79: {  	[sflag:s21] =	ssyncset.done $0x0;
	(pc) =	sbr.rel @p0 .LBB2_4-.Ltmp1, $4  }
0x7a: {  	s23 =	sadd.s32 $0x15480, s23;
	[sflag:s21] =	ssyncadd.s32 $0xFFFFC000  }
0x7b: {  	[spmem:s3] =	stream.indirect.scatter.add.f32 [tilespmem:s19], [sflag:$0x3], $0x80, s23, s17, $0xb8;
	[tilespmem:$0x1E800] =	vst v63  }
0x7c: {  	_ =	swait.ge [sflag:s14], $0x4000  }
0x7d: {  	s24 =	smov.u32 s28;
	s23 =	sshra.s32 s26, $0x2;
	[sflag:s14] =	ssyncset.done $0x0  }
0x7e: {  	s24 =	sadd.s32 $0x14000, s23;
	[sflag:s14] =	ssyncadd.s32 $0xFFFFC000  }
0x7f: {  	[tilespmem:s18], [sflag:$0x1] =	stream.indirect.gather [hbm4b:s2+s17], $0x80, s24, s17, $0xb8;
	[tilespmem:$0x1E800] =	vst v63  }
0x80: {  	s29 =	sadd.s32 $0x14080, s23  }
0x81: {  	[tilespmem:s19], [sflag:$0x2] =	stream.indirect.gather [hbm4b:s2+s17], $0x80, s29, s17, $0xb8;
	[tilespmem:$0x1E800] =	vst v63  }
0x82: {  	_ =	swait.ge [sflag:s20], $0x4000  }
0x83: {  	[sflag:s20] =	ssyncset.done $0x0  }
0x84: {  	s30 =	sadd.s32 $0x15400, s23;
	[sflag:s20] =	ssyncadd.s32 $0xFFFFC000  }
0x85: {  	[spmem:s3] =	stream.indirect.scatter.add.f32 [tilespmem:s18], [sflag:$0x3], $0x80, s30, s17, $0xb8;
	[tilespmem:$0x1E800] =	vst v63  }
0x86: {  	_ =	swait.ge [sflag:s14], $0x4000  }
0x87: {  	[sflag:s14] =	ssyncset.done $0x0  }
0x88: {  	[sflag:s14] =	ssyncadd.s32 $0xFFFFC000  }
0x89: {  	_ =	swait.ge [sflag:s21], $0x4000  }
0x8a: {  	[sflag:s21] =	ssyncset.done $0x0  }
0x8b: {  	s31 =	sadd.s32 $0x15480, s23;
	[sflag:s21] =	ssyncadd.s32 $0xFFFFC000  }
0x8c: {  	[spmem:s3] =	stream.indirect.scatter.add.f32 [tilespmem:s19], [sflag:$0x3], $0x80, s31, s17, $0xb8;
	[tilespmem:$0x1E800] =	vst v63  }
0x8d: {  	_ =	swait.ge [sflag:s14], $0x4000  }
0x8e: {  	s22 =	sadd.s32 $0x1, s22;
	[sflag:s14] =	ssyncset.done $0x0  }
0x8f: {  	p0 =	sne.s32 s22, s7;
	[sflag:s14] =	ssyncadd.s32 $0xFFFFC000  }
.Ltmp2:
0x90: {  	[bflag:$0x0] =	sbarrier.arrive $0xFFFF;
	(pc) =	sbr.rel @p0 .LBB2_1-.Ltmp2, $4  }
0x91: {  	[hbm:s12], [sflag:s6] =	dma.local [spmem:s13], $0x2800  }
0x92: {  	_ =	swait.ge [sflag:s14], $0x2800  }
0x93: {  	[sflag:s14] =	ssyncset.done $0x0  }
0x94: {  	[sflag:s14] =	ssyncadd.s32 $0xFFFFD800  }
0x95: {  	_ =	sfence.sel $0x180000  }
0x96: {  	[bflag:$0x0] =	sbarrier.arrive $0xFFFF  }
0x97: {  	p0 =	sne.s32 s1, $0x0;
	_ =	strace $0x9000004A  }
0x98: {  	s0 =	sadd.s32 @!p0 $0x100000, s0;
	[bflag:$0x2] =	sbarrier.arrive $0xFFFF  }
0x99: {  	[sflag:s0] =	ssyncadd.tile.s32 @!p0 $0x1;
	_ =	shalt  }
.Lfunc_end2:
_tile_overlayer_lowered:
.L_overlay_start_2:
0x9a: {  	(tag) =	ssettag $0x2  }
0x9b: {  	s0 =	rddreg [dreg:$0x0];
	s2 =	stileid.u32  }
0x9c: {  	s1 =	rddreg [dreg:$0x1];
	p0 =	sne.s32 s2, $0x0  }
0x9d: {  	s3 =	rddreg [dreg:$0x2];
	[bflag:$0x3] =	sbarrier.arrive $0xFFFF;
	s2 =	simm.s32 @!p0 $0x1C03  }
0x9e: {  	[timem:s3], [sflag:s2] =	dma.local @!p0 [hbm:s0], s1  }
0x9f: {  	s0 =	simm.s32 @!p0 $0x3  }
0xa0: {  	_ =	swait.ge @!p0 [sflag:s0], s1  }
0xa1: {  	s1 =	ssub.s32 @!p0 $0x0, s1;
	[sflag:s0] =	ssyncset.done @!p0 $0x0  }
0xa2: {  	[sflag:s0] =	ssyncadd.s32 @!p0 s1  }
0xa3: {  	[bflag:$0x3] =	sbarrier.arrive $0xFFFF  }
0xa4: {  	_ =	shalt  }

// kernel: kernel.14.cloned.1.call-start
scs
__scs_entry_jumppad:
0x0: {  	(pc) =	sbr.rel $0x88, $3  }
0x1: {  	(tag) =	ssettag $0x0;
	lr =	simm.s32 $0x1  }
0x2: {  	[smem:$0x3F99] =	sst lr;
	_ =	strace $0xD0000000  }
0x3: {  	_ = 	snop  }
0x4: {  	_ = 	snop  }
0x5: {  	_ = 	snop  }
0x6: {  	_ = 	snop  }
0x7: {  	_ = 	snop  }
__scs_overlays_trampoline_lowered:
0x8: {  	[smem:$0x3FA8] =	sst s0  }
0x9: {  	[smem:$0x3FA9] =	sst s1  }
0xa: {  	[smem:$0x3FAA] =	sst s2  }
0xb: {  	[smem:$0x3FAB] =	sst s3  }
0xc: {  	[smem:$0x3FAC] =	sst s4  }
0xd: {  	[smem:$0x3FAD] =	sst s5  }
0xe: {  	[smem:$0x3FAE] =	sst s6  }
0xf: {  	[smem:$0x3FAF] =	sst s7  }
0x10: {  	[smem:$0x3FB0] =	sst s8  }
0x11: {  	[smem:$0x3FB1] =	sst s9;
	s0 =	simm.s32 @!p0 $0x0  }
0x12: {  	s1 =	sld [smem:$0x3F97];
	s0 =	simm.s32 @p0 $0x1  }
0x13: {  	[smem:$0x3FB2] =	sst s0;
	s0 =	simm.s32 @!p1 $0x0  }
0x14: {  	s2 =	sld [smem:$0x3F96];
	s0 =	simm.s32 @p1 $0x1  }
0x15: {  	[smem:$0x3FB3] =	sst s0;
	s0 =	simm.s32 @!p2 $0x0  }
0x16: {  	s3 =	sld [smem:$0x3FDB];
	s0 =	simm.s32 @p2 $0x1  }
0x17: {  	s4 =	simm.s32 $0x1BF5;
	[smem:$0x3FB5] =	sst s0  }
0x18: {  	s0 =	sld [smem:$0x3F98];
	_ =	swait.ge [sflag:s4], $0x0  }
0x19: {  	s7 =	sld [smem:$0x3F99]  }
0x1a: {  	s8 =	sadd.s32 $0xFFFFE003, lr  }
0x1b: {  	s9 =	sadd.s32 $0xFFFFFEF7, lr;
	s5 =	simm.s32 $0xFFFFFFFF;
	p2 =	slt.u32 s8, $0xFFFFF086  }
0x1c: {  	p1 =	slt.u32 s9, $0xF7A;
	s5 =	simm.s32 @!p2 $0x0  }
0x1d: {  	s5 =	simm.s32 @p1 $0x1;
	p0 =	seq.s32 s7, s2  }
0x1e: {  	s7 =	smul.u32 @!p0 $0xF7A, s2;
	p2 =	seq.s32 @!p0 s5, $0x0  }
0x1f: {  	s9 =	smul.u32 $0xF7A, s1;
	s8 =	simm.s32 @!p0 $0x1BF5;
	p2 =	por !p2, p0  }
0x20: {  	[sflag:s8] =	ssyncset.s32 @!p0 $0xFFFFF086;
	s6 =	sadd.s32 @!p0 s3, s7;
	s7 =	simm.s32 @!p0 $0x108  }
0x21: {  	s3 =	sadd.s32 s3, s9;
	s6 =	sadd.s32 @!p0 $0x88, s6;
	s7 =	simm.s32 @p2 $0x1082  }
0x22: {  	[simem:s7], [sflag:s8] =	dma.local @!p0 [hbm:s6], $0xF7A  }
0x23: {  	s9 =	sor.u32 $0xD0000000, s2;
	s6 =	simm.s32 $0x108;
	_ =	swait.ge @!p0 [sflag:s8], $0x0  }
0x24: {  	s3 =	sadd.s32 $0x88, s3;
	s6 =	simm.s32 @!p1 $0x1082;
	[sflag:s4] =	ssyncset.s32 $0xFFFFF086  }
0x25: {  	[simem:s6], [sflag:s4] =	dma.local [hbm:s3], $0xF7A  }
0x26: {  	[smem:$0x3F99] =	sst s1;
	(tag) =	ssettag s2;
	_ =	strace s9  }
0x27: {  	s1 =	sld [smem:$0x3FA9]  }
0x28: {  	s2 =	sld [smem:$0x3FAA]  }
0x29: {  	s4 =	sld [smem:$0x3FAC]  }
0x2a: {  	p0 =	seq.s32 s5, $0x0;
	s5 =	sld [smem:$0x3FAD]  }
0x2b: {  	s6 =	sld [smem:$0x3FAE]  }
0x2c: {  	s7 =	sld [smem:$0x3FAF]  }
0x2d: {  	s3 =	simm.s32 $0x108;
	s8 =	sld [smem:$0x3FB0]  }
0x2e: {  	s3 =	simm.s32 @!p0 $0x1082;
	s9 =	sld [smem:$0x3FB1]  }
0x2f: {  	lr =	sadd.s32 s0, s3;
	s0 =	sld [smem:$0x3FA8]  }
0x30: {  	s3 =	sld [smem:$0x3FAB]  }
0x31: {  	[smem:$0x3FB4] =	sst s10  }
0x32: {  	s10 =	sld [smem:$0x3FB2];
	_ =	sdelay $0x3  }
0x33: {  	p0 =	seq.s32 s10, $0x1;
	s10 =	sld [smem:$0x3FB4];
	_ =	sdelay $0x3  }
0x34: {  	[smem:$0x3FB4] =	sst s10  }
0x35: {  	s10 =	sld [smem:$0x3FB3];
	_ =	sdelay $0x3  }
0x36: {  	p1 =	seq.s32 s10, $0x1;
	s10 =	sld [smem:$0x3FB4];
	_ =	sdelay $0x3  }
0x37: {  	[smem:$0x3FB4] =	sst s10  }
0x38: {  	s10 =	sld [smem:$0x3FB5]  }
0x39: {  	_ = 	snop;
	(pc) =	sbr.ind lr, $3  }
0x3a: {  	_ = 	snop  }
0x3b: {  	_ = 	snop  }
0x3c: {  	p2 =	seq.s32 s10, $0x1;
	s10 =	sld [smem:$0x3FB4]  }
0x3d: {  	_ =	shalt  }
0x3e: {  	_ =	shalt  }
0x3f: {  	_ =	shalt  }
0x40: {  	_ =	shalt  }
0x41: {  	_ =	shalt  }
0x42: {  	_ =	shalt  }
0x43: {  	_ =	shalt  }
0x44: {  	_ =	shalt  }
0x45: {  	_ =	shalt  }
0x46: {  	_ =	shalt  }
0x47: {  	_ =	shalt  }
0x48: {  	_ =	shalt  }
0x49: {  	_ =	shalt  }
0x4a: {  	_ =	shalt  }
0x4b: {  	_ =	shalt  }
0x4c: {  	_ =	shalt  }
0x4d: {  	_ =	shalt  }
0x4e: {  	_ =	shalt  }
0x4f: {  	_ =	shalt  }
0x50: {  	_ =	shalt  }
0x51: {  	_ =	shalt  }
0x52: {  	_ =	shalt  }
0x53: {  	_ =	shalt  }
0x54: {  	_ =	shalt  }
0x55: {  	_ =	shalt  }
0x56: {  	_ =	shalt  }
0x57: {  	_ =	shalt  }
0x58: {  	_ =	shalt  }
0x59: {  	_ =	shalt  }
0x5a: {  	_ =	shalt  }
0x5b: {  	_ =	shalt  }
0x5c: {  	_ =	shalt  }
0x5d: {  	_ =	shalt  }
0x5e: {  	_ =	shalt  }
0x5f: {  	_ =	shalt  }
0x60: {  	_ =	shalt  }
0x61: {  	_ =	shalt  }
0x62: {  	_ =	shalt  }
0x63: {  	_ =	shalt  }
0x64: {  	_ =	shalt  }
0x65: {  	_ =	shalt  }
0x66: {  	_ =	shalt  }
0x67: {  	_ =	shalt  }
0x68: {  	_ =	shalt  }
0x69: {  	_ =	shalt  }
0x6a: {  	_ =	shalt  }
0x6b: {  	_ =	shalt  }
0x6c: {  	_ =	shalt  }
0x6d: {  	_ =	shalt  }
0x6e: {  	_ =	shalt  }
0x6f: {  	_ =	shalt  }
0x70: {  	_ =	shalt  }
0x71: {  	_ =	shalt  }
0x72: {  	_ =	shalt  }
0x73: {  	_ =	shalt  }
0x74: {  	_ =	shalt  }
0x75: {  	_ =	shalt  }
0x76: {  	_ =	shalt  }
0x77: {  	_ =	shalt  }
0x78: {  	_ =	shalt  }
0x79: {  	_ =	shalt  }
0x7a: {  	_ =	shalt  }
0x7b: {  	_ =	shalt  }
0x7c: {  	_ =	shalt  }
0x7d: {  	_ =	shalt  }
0x7e: {  	_ =	shalt  }
0x7f: {  	_ =	shalt  }
0x80: {  	_ =	shalt  }
0x81: {  	_ =	shalt  }
0x82: {  	_ =	shalt  }
0x83: {  	_ =	shalt  }
0x84: {  	_ =	shalt  }
0x85: {  	_ =	shalt  }
0x86: {  	_ =	shalt  }
0x87: {  	_ =	shalt  }
.Lfunc_end0:
.L_simem_size_0:
called_computation.2_lowered:
.L_overlay_start_0:
0x88: {  	s2 =	sld [smem:$0x3FD9]  }
0x89: {  	s3 =	sld [smem:$0x3FFE];
	_ =	sdelay $0x1  }
0x8a: {  	s1 =	srdreg.scid  }
0x8b: {  	s0 =	sand.u32 $0x1, s1  }
0x8c: {  	s17 =	sshll.u32 s0, $0xA;
	s2 =	sadd.s32 s3, s2  }
0x8d: {  	s2 =	sadd.s32 s2, s17  }
0x8e: {  	[smem:$0x3FC0] =	sst s2  }
0x8f: {  	_ = 	snop  }
0x90: {  	s2 =	sld [smem:$0x3FD0];
	(tm) =	ssettm $0x1  }
0x91: {  	s18 =	sld [smem:$0x3FFB];
	_ =	sdelay $0x3  }
0x92: {  	_ =	strace s18  }
0x93: {  	s3 =	sld [smem:$0x3FFC];
	_ =	sdelay $0x3  }
0x94: {  	_ =	strace s3  }
0x95: {  	s3 =	sld [smem:$0x3FFD];
	_ =	sdelay $0x3  }
0x96: {  	_ =	strace s3  }
0x97: {  	_ =	strace $0x8FFFFFFF  }
0x98: {  	s19 =	sld [smem:$0x3FDB];
	_ =	sdelay $0x1  }
0x99: {  	s4 =	simm.s32 $_scs_section_size  }
0x9a: {  	s5 =	simm.s32 $_size__tile_overlayer_lowered;
	s6 =	simm.s32 $_tile_overlayer_lowered  }
0x9b: {  	s22 =	simm.s32 $0x1BFF;
	s21 =	sshll.u32 s6, $0x1;
	s3 =	sadd.s32 s4, s19  }
0x9c: {  	s7 =	simm.s32 $0x0;
	s20 =	sshll.u32 s5, $0x1;
	s5 =	sadd.s32 s21, s3  }
0x9d: {  	[timem:s7], [sflag:s22] =	dma.local [hbm:s5], s20  }
0x9e: {  	_ =	swait.ge [sflag:s22], s20  }
0x9f: {  	s4 =	ssub.s32 $0x0, s20;
	[sflag:s22] =	ssyncset.done $0x0  }
0xa0: {  	[sflag:s22] =	ssyncadd.s32 s4;
	_ =	sdelay $0x1  }
0xa1: {  	s23 =	simm.s32 $0x1B8B  }
0xa2: {  	_ =	swait.ge [sflag:s23], $0x1  }
0xa3: {  	[sflag:s23] =	ssyncset.done $0x0  }
0xa4: {  	s25 =	simm.s32 $0x1B8E;
	s24 =	sld [smem:$0x3FFE];
	[sflag:s23] =	ssyncadd.s32 $0xFFFFFFFF  }
0xa5: {  	s26 =	simm.s32 $execute0_lowered;
	[smem:$0x3FD2] =	sst s25  }
0xa6: {  	s5 =	sshll.u32 s26, $0x1;
	_ =	strace $0x8000004C;
	[dreg:$0x1] =	wrdreg $0xFFFFFFFF  }
0xa7: {  	s28 =	simm.s32 $_size_execute0_lowered;
	s3 =	sadd.s32 s3, s5;
	[dreg:$0x0] =	wrdreg $0x0  }
0xa8: {  	s5 =	sshll.u32 s28, $0x1;
	[dreg:$0x2] =	wrdreg s3  }
0xa9: {  	[dreg:$0x3] =	wrdreg s5  }
0xaa: {  	[dreg:$0x4] =	wrdreg $0xC0  }
0xab: {  	_ =	task [dreg:s7], $0x5FFFF  }
0xac: {  	[dreg:$0x1] =	wrdreg $0xFFFFFFFF  }
0xad: {  	[dreg:$0x0] =	wrdreg $0x60  }
0xae: {  	[dreg:$0x2] =	wrdreg s2  }
0xaf: {  	[dreg:$0x3] =	wrdreg s24  }
0xb0: {  	[dreg:$0x4] =	wrdreg $0x0  }
0xb1: {  	[dreg:$0x5] =	wrdreg $0x9  }
0xb2: {  	_ =	task.clear_ibuf [dreg:s7], $0x6FFFF;
	_ =	strace $0x9000004C  }
0xb3: {  	s29 =	simm.s32 $0x9;
	_ =	strace $0x8000004E  }
0xb4: {  	_ =	swait.ge [sflag:s29], $0x1  }
0xb5: {  	[sflag:s29] =	ssyncadd.s32 $0xFFFFFFFF  }
0xb6: {  	_ =	strace $0x9000004E  }
0xb7: {  	_ =	sfence  }
0xb8: {  	s30 =	sld [smem:$0x0];
	_ =	sdelay $0x2  }
0xb9: {  	s31 =	sshll.u32 s1, $0xD;
	s1 =	sshrl.u32 s1, $0x2  }
0xba: {  	s3 =	sand.u32 $0x4000, s31;
	s1 =	sadd.s32 s1, s30  }
0xbb: {  	s0 =	sor.u32 s3, s0;
	s1 =	sshll.u32 s1, $0x11  }
0xbc: {  	s0 =	sor.u32 s1, s0  }
0xbd: {  	s0 =	sadd.s32 $0x8F2B, s0  }
0xbe: {  	[sflag:s0] =	ssyncadd.remote.s32 $0x1  }
0xbf: {  	_ =	sfence.sel $0xFFFF  }
0xc0: {  	[dreg:$0x0] =	wrdreg $0xFFFFFFFF;
	(pc) =	sbr.abs _section_cstart, $3  }
0xc1: {  	[dreg:$0x1] =	wrdreg $0xFFFFFFFF  }
0xc2: {  	_ =	task.clear_ibuf [dreg:s7], $0x2FFFF;
	_ =	strace $0x9FFFFFFF  }
0xc3: {  	(tm) =	ssettm $0x7FFFFFFF  }
tec
execute0_lowered:
.L_overlay_start_1:
0x0: {  	(tag) =	ssettag $0x1  }
0x1: {  	s1 =	rddreg [dreg:$0x0]  }
0x2: {  	s10 =	rddreg [dreg:$0x1]  }
0x3: {  	s2 =	rddreg [dreg:$0x2]  }
0x4: {  	s0 =	rddreg [dreg:$0x3];
	s4 =	simm.s32 $0x0;
	s3 =	stileid.u32  }
0x5: {  	s9 =	srdreg.scid;
	s17 =	simm.s32 $0x14000;
	s18 =	simm.s32 $0x15400  }
0x6: {  	s19 =	simm.s32 $0x80;
	s20 =	simm.s32 $0x16800;
	s21 =	simm.s32 $0x1A800  }
0x7: {  	s22 =	simm.s32 $0x1;
	s23 =	simm.s32 $0x2;
	[smem:$0x7FF] =	sst s4  }
0x8: {  	s5 =	sadd.s32 $0x91000, s10;
	s6 =	smul.u32 $0x2800, s3;
	s7 =	sadd.s32 $0xF000, s10  }
0x9: {  	s8 =	sadd.s32 $0x5000, s10;
	s15 =	sand.u32 $0x1, s9;
	s13 =	smul.u32 $0x50000, s3  }
0xa: {  	s9 =	sadd.s32 $0xB8200, s10;
	s31 =	sshll.u32 s3, $0x6;
	_ =	strace $0x8000004D  }
.Ltmp0:
0xb: {  	s11 =	ssub.s32 $0x2, s15;
	p0 =	sne.s32 s15, $0x0;
	(pc) =	sbr.rel .LBB2_1-.Ltmp0, $4  }
0xc: {  	s12 =	sadd.s32 s6, s10;
	s10 =	sadd.s32 $0xE0200, s10;
	s14 =	sshrl.u32 s11, $0x1  }
0xd: {  	s13 =	sshrl.u32 s13, $0x2;
	s14 =	ssub.s32 s11, s14;
	s11 =	smul.u32 $0xA0, s3  }
0xe: {  	s16 =	sadd.s32 s13, s2;
	s12 =	sadd.s32 $0x19000, s12;
	s13 =	sor.u32 $0x1C03, s31  }
0xf: {  	s14 =	smax.u32 s14, $0x1;
	s15 =	sshrl.u32 s16, $0x3;
	s16 =	simm.s32 $0x3  }
.LBB2_10:
0x10: {  	s4 =	sadd.s32 $0x1, s4  }
0x11: {  	p1 =	sne.s32 s4, s14  }
.Ltmp1:
0x12: {  	s24 =	sadd.s32 s24, s6;
	[bflag:$0x0] =	sbarrier.arrive $0xFFFF;
	(pc) =	sbr.rel @!p1 .LBB2_11-.Ltmp1, $4  }
0x13: {  	[hbm:s24], [sflag:s13] =	dma.local [spmem:s15], $0x2800  }
0x14: {  	_ =	swait.ge [sflag:s16], $0x2800  }
0x15: {  	[sflag:s16] =	ssyncset.done $0x0  }
0x16: {  	[sflag:s16] =	ssyncadd.s32 $0xFFFFD800  }
.LBB2_1:
0x17: {  	[spmem:s15], [sflag:s13] =	dma.local [hbm:s12], $0x2800  }
.Ltmp2:
0x18: {  	_ =	swait.ge [sflag:s16], $0x2800;
	(pc) =	sbr.rel @p0 .LBB2_6-.Ltmp2, $4  }
0x19: {  	[sflag:s16] =	ssyncset.done $0x0  }
0x1a: {  	[sflag:s16] =	ssyncadd.s32 $0xFFFFD800  }
0x1b: {  	[bflag:$0x0] =	sbarrier.arrive $0xFFFF  }
0x1c: {  	s24 =	simm.s32 $0x0;
	s25 =	simm.s32 $0x0  }
.LBB2_2:
0x1d: {  	s25 =	smul.u32 $0x28, s24;
	_ =	sdelay $0x1  }
0x1e: {  	s25 =	sadd.s32 s11, s25  }
0x1f: {  	s25 =	sshll.u32 s25, $0x4  }
0x20: {  	s28 =	simm.s32 $0x0;
	s26 =	sadd.s32 s7, s25  }
0x21: {  	[tilespmem:s17], [sflag:$0x3] =	stream.linear.gather [hbm4b:s26+s28], $0x1400, $0x38;
	[tilespmem:$0x1E800] =	vst v63  }
0x22: {  	_ =	swait.ge [sflag:s16], $0x1400  }
0x23: {  	[sflag:s16] =	ssyncset.done $0x0  }
0x24: {  	s25 =	sadd.s32 s8, s25;
	[sflag:s16] =	ssyncadd.s32 $0xFFFFEC00  }
0x25: {  	[tilespmem:s18], [sflag:$0x3] =	stream.linear.gather [hbm4b:s25+s28], $0x1400, $0x38;
	[tilespmem:$0x1E800] =	vst v63  }
0x26: {  	_ =	swait.ge [sflag:s16], $0x1400  }
0x27: {  	[sflag:s16] =	ssyncset.done $0x0  }
0x28: {  	s28 =	simm.s32 $0x14000;
	[sflag:s16] =	ssyncadd.s32 $0xFFFFEC00  }
0x29: {  	[tilespmem:s20], [sflag:$0x1] =	stream.indirect.gather [hbm4b:s1+s19], $0x80, s28, s19, $0xb8;
	[tilespmem:$0x1E800] =	vst v63  }
0x2a: {  	s29 =	simm.s32 $0x14080  }
0x2b: {  	[tilespmem:s21], [sflag:$0x2] =	stream.indirect.gather [hbm4b:s1+s19], $0x80, s29, s19, $0xb8;
	[tilespmem:$0x1E800] =	vst v63  }
0x2c: {  	_ =	swait.ge [sflag:s22], $0x4000  }
0x2d: {  	[sflag:s22] =	ssyncset.done $0x0  }
0x2e: {  	s30 =	simm.s32 $0x15400;
	[sflag:s22] =	ssyncadd.s32 $0xFFFFC000  }
0x2f: {  	[spmem:s2] =	stream.indirect.scatter.add.f32 [tilespmem:s20], [sflag:$0x3], $0x80, s30, s19, $0xb8;
	[tilespmem:$0x1E800] =	vst v63  }
0x30: {  	_ =	swait.ge [sflag:s16], $0x4000  }
0x31: {  	[sflag:s16] =	ssyncset.done $0x0  }
0x32: {  	[sflag:s16] =	ssyncadd.s32 $0xFFFFC000  }
0x33: {  	_ =	swait.ge [sflag:s23], $0x4000  }
0x34: {  	[sflag:s23] =	ssyncset.done $0x0  }
0x35: {  	s31 =	simm.s32 $0x15480;
	[sflag:s23] =	ssyncadd.s32 $0xFFFFC000  }
0x36: {  	[spmem:s2] =	stream.indirect.scatter.add.f32 [tilespmem:s21], [sflag:$0x3], $0x80, s31, s19, $0xb8;
	[tilespmem:$0x1E800] =	vst v63  }
0x37: {  	_ =	swait.ge [sflag:s16], $0x4000  }
0x38: {  	s26 =	simm.s32 $0x800;
	s25 =	simm.s32 $0x100;
	[sflag:s16] =	ssyncset.done $0x0  }
.LBB2_3:
0x39: {  	s28 =	sadd.s32 $0x14000, s25  }
0x3a: {  	[sflag:s16] =	ssyncadd.s32 $0xFFFFC000;
	s29 =	smov.u32 s26;
	s30 =	sadd.s32 $0x400, s26  }
0x3b: {  	[tilespmem:s20], [sflag:$0x1] =	stream.indirect.gather [hbm4b:s1+s19], $0x80, s28, s19, $0xb8;
	[tilespmem:$0x1E800] =	vst v63  }
0x3c: {  	p1 =	sne.s32 s26, $0x4C00;
	s26 =	sadd.s32 $0x14080, s25  }
0x3d: {  	[tilespmem:s21], [sflag:$0x2] =	stream.indirect.gather [hbm4b:s1+s19], $0x80, s26, s19, $0xb8;
	[tilespmem:$0x1E800] =	vst v63  }
0x3e: {  	_ =	swait.ge [sflag:s22], $0x4000  }
0x3f: {  	[sflag:s22] =	ssyncset.done $0x0  }
0x40: {  	s26 =	sadd.s32 $0x15400, s25;
	[sflag:s22] =	ssyncadd.s32 $0xFFFFC000  }
0x41: {  	[spmem:s2] =	stream.indirect.scatter.add.f32 [tilespmem:s20], [sflag:$0x3], $0x80, s26, s19, $0xb8;
	[tilespmem:$0x1E800] =	vst v63  }
0x42: {  	_ =	swait.ge [sflag:s16], $0x4000  }
0x43: {  	[sflag:s16] =	ssyncset.done $0x0  }
0x44: {  	[sflag:s16] =	ssyncadd.s32 $0xFFFFC000  }
0x45: {  	_ =	swait.ge [sflag:s23], $0x4000  }
.Ltmp3:
0x46: {  	[sflag:s23] =	ssyncset.done $0x0;
	(pc) =	sbr.rel @p1 .LBB2_3-.Ltmp3, $4  }
0x47: {  	s25 =	sadd.s32 $0x15480, s25;
	[sflag:s23] =	ssyncadd.s32 $0xFFFFC000  }
0x48: {  	[spmem:s2] =	stream.indirect.scatter.add.f32 [tilespmem:s21], [sflag:$0x3], $0x80, s25, s19, $0xb8;
	[tilespmem:$0x1E800] =	vst v63  }
0x49: {  	_ =	swait.ge [sflag:s16], $0x4000  }
0x4a: {  	s26 =	smov.u32 s30;
	s25 =	sshra.s32 s29, $0x2;
	[sflag:s16] =	ssyncset.done $0x0  }
0x4b: {  	s26 =	sadd.s32 $0x14000, s25;
	[sflag:s16] =	ssyncadd.s32 $0xFFFFC000  }
0x4c: {  	[tilespmem:s20], [sflag:$0x1] =	stream.indirect.gather [hbm4b:s1+s19], $0x80, s26, s19, $0xb8;
	[tilespmem:$0x1E800] =	vst v63  }
0x4d: {  	s29 =	sadd.s32 $0x14080, s25  }
0x4e: {  	[tilespmem:s21], [sflag:$0x2] =	stream.indirect.gather [hbm4b:s1+s19], $0x80, s29, s19, $0xb8;
	[tilespmem:$0x1E800] =	vst v63  }
0x4f: {  	_ =	swait.ge [sflag:s22], $0x4000  }
0x50: {  	[sflag:s22] =	ssyncset.done $0x0  }
0x51: {  	s30 =	sadd.s32 $0x15400, s25;
	[sflag:s22] =	ssyncadd.s32 $0xFFFFC000  }
0x52: {  	[spmem:s2] =	stream.indirect.scatter.add.f32 [tilespmem:s20], [sflag:$0x3], $0x80, s30, s19, $0xb8;
	[tilespmem:$0x1E800] =	vst v63  }
0x53: {  	_ =	swait.ge [sflag:s16], $0x4000  }
0x54: {  	[sflag:s16] =	ssyncset.done $0x0  }
0x55: {  	[sflag:s16] =	ssyncadd.s32 $0xFFFFC000  }
0x56: {  	s24 =	sadd.s32 $0x1, s24;
	_ =	swait.ge [sflag:s23], $0x4000  }
0x57: {  	p1 =	seq.s32 s24, $0x4;
	[sflag:s23] =	ssyncset.done $0x0  }
.Ltmp4:
0x58: {  	s31 =	sadd.s32 $0x15480, s25;
	[sflag:s23] =	ssyncadd.s32 $0xFFFFC000;
	(pc) =	sbr.rel @!p1 .LBB2_2-.Ltmp4, $4  }
0x59: {  	[spmem:s2] =	stream.indirect.scatter.add.f32 [tilespmem:s21], [sflag:$0x3], $0x80, s31, s19, $0xb8;
	[tilespmem:$0x1E800] =	vst v63  }
0x5a: {  	_ =	swait.ge [sflag:s16], $0x4000  }
0x5b: {  	[sflag:s16] =	ssyncset.done $0x0  }
0x5c: {  	[sflag:s16] =	ssyncadd.s32 $0xFFFFC000  }
.Ltmp5:
0x5d: {  	(pc) =	sbr.rel .LBB2_10-.Ltmp5, $2  }
0x5e: {  	_ =	sdelay $0x2  }
0x5f: {  	s24 =	smov.u32 s9  }
.LBB2_6:
0x60: {  	s24 =	smul.u32 $0x28, s25;
	_ =	sdelay $0x1  }
0x61: {  	s24 =	sadd.s32 s11, s24  }
0x62: {  	s24 =	sshll.u32 s24, $0x4  }
0x63: {  	s28 =	simm.s32 $0x0;
	s26 =	sadd.s32 s7, s24  }
0x64: {  	[tilespmem:s17], [sflag:$0x3] =	stream.linear.gather [hbm4b:s26+s28], $0x1400, $0x38;
	[tilespmem:$0x1E800] =	vst v63  }
0x65: {  	_ =	swait.ge [sflag:s16], $0x1400  }
0x66: {  	[sflag:s16] =	ssyncset.done $0x0  }
0x67: {  	s24 =	sadd.s32 s8, s24;
	[sflag:s16] =	ssyncadd.s32 $0xFFFFEC00  }
0x68: {  	[tilespmem:s18], [sflag:$0x3] =	stream.linear.gather [hbm4b:s24+s28], $0x1400, $0x38;
	[tilespmem:$0x1E800] =	vst v63  }
0x69: {  	_ =	swait.ge [sflag:s16], $0x1400  }
0x6a: {  	[sflag:s16] =	ssyncset.done $0x0  }
0x6b: {  	s28 =	simm.s32 $0x14000;
	[sflag:s16] =	ssyncadd.s32 $0xFFFFEC00  }
0x6c: {  	[tilespmem:s20], [sflag:$0x1] =	stream.indirect.gather [hbm4b:s5+s19], $0x80, s28, s19, $0xb8;
	[tilespmem:$0x1E800] =	vst v63  }
0x6d: {  	s29 =	simm.s32 $0x14080  }
0x6e: {  	[tilespmem:s21], [sflag:$0x2] =	stream.indirect.gather [hbm4b:s5+s19], $0x80, s29, s19, $0xb8;
	[tilespmem:$0x1E800] =	vst v63  }
0x6f: {  	_ =	swait.ge [sflag:s22], $0x4000  }
0x70: {  	[sflag:s22] =	ssyncset.done $0x0  }
0x71: {  	s30 =	simm.s32 $0x15400;
	[sflag:s22] =	ssyncadd.s32 $0xFFFFC000  }
0x72: {  	[spmem:s2] =	stream.indirect.scatter.add.f32 [tilespmem:s20], [sflag:$0x3], $0x80, s30, s19, $0xb8;
	[tilespmem:$0x1E800] =	vst v63  }
0x73: {  	_ =	swait.ge [sflag:s16], $0x4000  }
0x74: {  	[sflag:s16] =	ssyncset.done $0x0  }
0x75: {  	[sflag:s16] =	ssyncadd.s32 $0xFFFFC000  }
0x76: {  	_ =	swait.ge [sflag:s23], $0x4000  }
0x77: {  	[sflag:s23] =	ssyncset.done $0x0  }
0x78: {  	s31 =	simm.s32 $0x15480;
	[sflag:s23] =	ssyncadd.s32 $0xFFFFC000  }
0x79: {  	[spmem:s2] =	stream.indirect.scatter.add.f32 [tilespmem:s21], [sflag:$0x3], $0x80, s31, s19, $0xb8;
	[tilespmem:$0x1E800] =	vst v63  }
0x7a: {  	_ =	swait.ge [sflag:s16], $0x4000  }
0x7b: {  	s26 =	simm.s32 $0x800;
	s24 =	simm.s32 $0x100;
	[sflag:s16] =	ssyncset.done $0x0  }
.LBB2_7:
0x7c: {  	s28 =	sadd.s32 $0x14000, s24  }
0x7d: {  	[sflag:s16] =	ssyncadd.s32 $0xFFFFC000;
	s29 =	smov.u32 s26;
	s30 =	sadd.s32 $0x400, s26  }
0x7e: {  	[tilespmem:s20], [sflag:$0x1] =	stream.indirect.gather [hbm4b:s5+s19], $0x80, s28, s19, $0xb8;
	[tilespmem:$0x1E800] =	vst v63  }
0x7f: {  	p1 =	sne.s32 s26, $0x4C00;
	s26 =	sadd.s32 $0x14080, s24  }
0x80: {  	[tilespmem:s21], [sflag:$0x2] =	stream.indirect.gather [hbm4b:s5+s19], $0x80, s26, s19, $0xb8;
	[tilespmem:$0x1E800] =	vst v63  }
0x81: {  	_ =	swait.ge [sflag:s22], $0x4000  }
0x82: {  	[sflag:s22] =	ssyncset.done $0x0  }
0x83: {  	s26 =	sadd.s32 $0x15400, s24;
	[sflag:s22] =	ssyncadd.s32 $0xFFFFC000  }
0x84: {  	[spmem:s2] =	stream.indirect.scatter.add.f32 [tilespmem:s20], [sflag:$0x3], $0x80, s26, s19, $0xb8;
	[tilespmem:$0x1E800] =	vst v63  }
0x85: {  	_ =	swait.ge [sflag:s16], $0x4000  }
0x86: {  	[sflag:s16] =	ssyncset.done $0x0  }
0x87: {  	[sflag:s16] =	ssyncadd.s32 $0xFFFFC000  }
0x88: {  	_ =	swait.ge [sflag:s23], $0x4000  }
.Ltmp6:
0x89: {  	[sflag:s23] =	ssyncset.done $0x0;
	(pc) =	sbr.rel @p1 .LBB2_7-.Ltmp6, $4  }
0x8a: {  	s24 =	sadd.s32 $0x15480, s24;
	[sflag:s23] =	ssyncadd.s32 $0xFFFFC000  }
0x8b: {  	[spmem:s2] =	stream.indirect.scatter.add.f32 [tilespmem:s21], [sflag:$0x3], $0x80, s24, s19, $0xb8;
	[tilespmem:$0x1E800] =	vst v63  }
0x8c: {  	_ =	swait.ge [sflag:s16], $0x4000  }
0x8d: {  	s26 =	smov.u32 s30;
	s24 =	sshra.s32 s29, $0x2;
	[sflag:s16] =	ssyncset.done $0x0  }
0x8e: {  	s26 =	sadd.s32 $0x14000, s24;
	[sflag:s16] =	ssyncadd.s32 $0xFFFFC000  }
0x8f: {  	[tilespmem:s20], [sflag:$0x1] =	stream.indirect.gather [hbm4b:s5+s19], $0x80, s26, s19, $0xb8;
	[tilespmem:$0x1E800] =	vst v63  }
0x90: {  	s29 =	sadd.s32 $0x14080, s24  }
0x91: {  	[tilespmem:s21], [sflag:$0x2] =	stream.indirect.gather [hbm4b:s5+s19], $0x80, s29, s19, $0xb8;
	[tilespmem:$0x1E800] =	vst v63  }
0x92: {  	_ =	swait.ge [sflag:s22], $0x4000  }
0x93: {  	[sflag:s22] =	ssyncset.done $0x0  }
0x94: {  	s30 =	sadd.s32 $0x15400, s24;
	[sflag:s22] =	ssyncadd.s32 $0xFFFFC000  }
0x95: {  	[spmem:s2] =	stream.indirect.scatter.add.f32 [tilespmem:s20], [sflag:$0x3], $0x80, s30, s19, $0xb8;
	[tilespmem:$0x1E800] =	vst v63  }
0x96: {  	_ =	swait.ge [sflag:s16], $0x4000  }
0x97: {  	[sflag:s16] =	ssyncset.done $0x0  }
0x98: {  	[sflag:s16] =	ssyncadd.s32 $0xFFFFC000  }
0x99: {  	s25 =	sadd.s32 $0x1, s25;
	_ =	swait.ge [sflag:s23], $0x4000  }
0x9a: {  	p1 =	sne.s32 s25, $0x4;
	[sflag:s23] =	ssyncset.done $0x0  }
.Ltmp7:
0x9b: {  	s31 =	sadd.s32 $0x15480, s24;
	[sflag:s23] =	ssyncadd.s32 $0xFFFFC000;
	(pc) =	sbr.rel @p1 .LBB2_6-.Ltmp7, $4  }
0x9c: {  	[spmem:s2] =	stream.indirect.scatter.add.f32 [tilespmem:s21], [sflag:$0x3], $0x80, s31, s19, $0xb8;
	[tilespmem:$0x1E800] =	vst v63  }
0x9d: {  	_ =	swait.ge [sflag:s16], $0x4000  }
0x9e: {  	[sflag:s16] =	ssyncset.done $0x0  }
0x9f: {  	[sflag:s16] =	ssyncadd.s32 $0xFFFFC000  }
.Ltmp8:
0xa0: {  	(pc) =	sbr.rel .LBB2_10-.Ltmp8, $2  }
0xa1: {  	_ =	sdelay $0x2  }
0xa2: {  	s24 =	smov.u32 s10  }
.LBB2_11:
0xa3: {  	_ =	sfence.sel $0x180000  }
0xa4: {  	[bflag:$0x0] =	sbarrier.arrive $0xFFFF  }
0xa5: {  	p0 =	sne.s32 s3, $0x0;
	_ =	strace $0x9000004D  }
0xa6: {  	s0 =	sadd.s32 @!p0 $0x100000, s0;
	[bflag:$0x2] =	sbarrier.arrive $0xFFFF  }
0xa7: {  	[sflag:s0] =	ssyncadd.tile.s32 @!p0 $0x1;
	_ =	shalt  }
.Lfunc_end2:
_tile_overlayer_lowered:
.L_overlay_start_2:
0xa8: {  	(tag) =	ssettag $0x2  }
0xa9: {  	s0 =	rddreg [dreg:$0x0];
	s2 =	stileid.u32  }
0xaa: {  	s1 =	rddreg [dreg:$0x1];
	p0 =	sne.s32 s2, $0x0  }
0xab: {  	s3 =	rddreg [dreg:$0x2];
	[bflag:$0x3] =	sbarrier.arrive $0xFFFF;
	s2 =	simm.s32 @!p0 $0x1C03  }
0xac: {  	[timem:s3], [sflag:s2] =	dma.local @!p0 [hbm:s0], s1  }
0xad: {  	s0 =	simm.s32 @!p0 $0x3  }
0xae: {  	_ =	swait.ge @!p0 [sflag:s0], s1  }
0xaf: {  	s1 =	ssub.s32 @!p0 $0x0, s1;
	[sflag:s0] =	ssyncset.done @!p0 $0x0  }
0xb0: {  	[sflag:s0] =	ssyncadd.s32 @!p0 s1  }
0xb1: {  	[bflag:$0x3] =	sbarrier.arrive $0xFFFF  }
0xb2: {  	_ =	shalt  }

// kernel: kernel.8.cloned.1.call-start
scs
__scs_entry_jumppad:
0x0: {  	(pc) =	sbr.rel $0x88, $3  }
0x1: {  	(tag) =	ssettag $0x0;
	lr =	simm.s32 $0x1  }
0x2: {  	[smem:$0x3F99] =	sst lr;
	_ =	strace $0xD0000000  }
0x3: {  	_ = 	snop  }
0x4: {  	_ = 	snop  }
0x5: {  	_ = 	snop  }
0x6: {  	_ = 	snop  }
0x7: {  	_ = 	snop  }
__scs_overlays_trampoline_lowered:
0x8: {  	[smem:$0x3FA8] =	sst s0  }
0x9: {  	[smem:$0x3FA9] =	sst s1  }
0xa: {  	[smem:$0x3FAA] =	sst s2  }
0xb: {  	[smem:$0x3FAB] =	sst s3  }
0xc: {  	[smem:$0x3FAC] =	sst s4  }
0xd: {  	[smem:$0x3FAD] =	sst s5  }
0xe: {  	[smem:$0x3FAE] =	sst s6  }
0xf: {  	[smem:$0x3FAF] =	sst s7  }
0x10: {  	[smem:$0x3FB0] =	sst s8  }
0x11: {  	[smem:$0x3FB1] =	sst s9;
	s0 =	simm.s32 @!p0 $0x0  }
0x12: {  	s1 =	sld [smem:$0x3F97];
	s0 =	simm.s32 @p0 $0x1  }
0x13: {  	[smem:$0x3FB2] =	sst s0;
	s0 =	simm.s32 @!p1 $0x0  }
0x14: {  	s2 =	sld [smem:$0x3F96];
	s0 =	simm.s32 @p1 $0x1  }
0x15: {  	[smem:$0x3FB3] =	sst s0;
	s0 =	simm.s32 @!p2 $0x0  }
0x16: {  	s3 =	sld [smem:$0x3FDB];
	s0 =	simm.s32 @p2 $0x1  }
0x17: {  	s4 =	simm.s32 $0x1BF5;
	[smem:$0x3FB5] =	sst s0  }
0x18: {  	s0 =	sld [smem:$0x3F98];
	_ =	swait.ge [sflag:s4], $0x0  }
0x19: {  	s7 =	sld [smem:$0x3F99]  }
0x1a: {  	s8 =	sadd.s32 $0xFFFFE003, lr  }
0x1b: {  	s9 =	sadd.s32 $0xFFFFFEF7, lr;
	s5 =	simm.s32 $0xFFFFFFFF;
	p2 =	slt.u32 s8, $0xFFFFF086  }
0x1c: {  	p1 =	slt.u32 s9, $0xF7A;
	s5 =	simm.s32 @!p2 $0x0  }
0x1d: {  	s5 =	simm.s32 @p1 $0x1;
	p0 =	seq.s32 s7, s2  }
0x1e: {  	s7 =	smul.u32 @!p0 $0xF7A, s2;
	p2 =	seq.s32 @!p0 s5, $0x0  }
0x1f: {  	s9 =	smul.u32 $0xF7A, s1;
	s8 =	simm.s32 @!p0 $0x1BF5;
	p2 =	por !p2, p0  }
0x20: {  	[sflag:s8] =	ssyncset.s32 @!p0 $0xFFFFF086;
	s6 =	sadd.s32 @!p0 s3, s7;
	s7 =	simm.s32 @!p0 $0x108  }
0x21: {  	s3 =	sadd.s32 s3, s9;
	s6 =	sadd.s32 @!p0 $0x88, s6;
	s7 =	simm.s32 @p2 $0x1082  }
0x22: {  	[simem:s7], [sflag:s8] =	dma.local @!p0 [hbm:s6], $0xF7A  }
0x23: {  	s9 =	sor.u32 $0xD0000000, s2;
	s6 =	simm.s32 $0x108;
	_ =	swait.ge @!p0 [sflag:s8], $0x0  }
0x24: {  	s3 =	sadd.s32 $0x88, s3;
	s6 =	simm.s32 @!p1 $0x1082;
	[sflag:s4] =	ssyncset.s32 $0xFFFFF086  }
0x25: {  	[simem:s6], [sflag:s4] =	dma.local [hbm:s3], $0xF7A  }
0x26: {  	[smem:$0x3F99] =	sst s1;
	(tag) =	ssettag s2;
	_ =	strace s9  }
0x27: {  	s1 =	sld [smem:$0x3FA9]  }
0x28: {  	s2 =	sld [smem:$0x3FAA]  }
0x29: {  	s4 =	sld [smem:$0x3FAC]  }
0x2a: {  	p0 =	seq.s32 s5, $0x0;
	s5 =	sld [smem:$0x3FAD]  }
0x2b: {  	s6 =	sld [smem:$0x3FAE]  }
0x2c: {  	s7 =	sld [smem:$0x3FAF]  }
0x2d: {  	s3 =	simm.s32 $0x108;
	s8 =	sld [smem:$0x3FB0]  }
0x2e: {  	s3 =	simm.s32 @!p0 $0x1082;
	s9 =	sld [smem:$0x3FB1]  }
0x2f: {  	lr =	sadd.s32 s0, s3;
	s0 =	sld [smem:$0x3FA8]  }
0x30: {  	s3 =	sld [smem:$0x3FAB]  }
0x31: {  	[smem:$0x3FB4] =	sst s10  }
0x32: {  	s10 =	sld [smem:$0x3FB2];
	_ =	sdelay $0x3  }
0x33: {  	p0 =	seq.s32 s10, $0x1;
	s10 =	sld [smem:$0x3FB4];
	_ =	sdelay $0x3  }
0x34: {  	[smem:$0x3FB4] =	sst s10  }
0x35: {  	s10 =	sld [smem:$0x3FB3];
	_ =	sdelay $0x3  }
0x36: {  	p1 =	seq.s32 s10, $0x1;
	s10 =	sld [smem:$0x3FB4];
	_ =	sdelay $0x3  }
0x37: {  	[smem:$0x3FB4] =	sst s10  }
0x38: {  	s10 =	sld [smem:$0x3FB5]  }
0x39: {  	_ = 	snop;
	(pc) =	sbr.ind lr, $3  }
0x3a: {  	_ = 	snop  }
0x3b: {  	_ = 	snop  }
0x3c: {  	p2 =	seq.s32 s10, $0x1;
	s10 =	sld [smem:$0x3FB4]  }
0x3d: {  	_ =	shalt  }
0x3e: {  	_ =	shalt  }
0x3f: {  	_ =	shalt  }
0x40: {  	_ =	shalt  }
0x41: {  	_ =	shalt  }
0x42: {  	_ =	shalt  }
0x43: {  	_ =	shalt  }
0x44: {  	_ =	shalt  }
0x45: {  	_ =	shalt  }
0x46: {  	_ =	shalt  }
0x47: {  	_ =	shalt  }
0x48: {  	_ =	shalt  }
0x49: {  	_ =	shalt  }
0x4a: {  	_ =	shalt  }
0x4b: {  	_ =	shalt  }
0x4c: {  	_ =	shalt  }
0x4d: {  	_ =	shalt  }
0x4e: {  	_ =	shalt  }
0x4f: {  	_ =	shalt  }
0x50: {  	_ =	shalt  }
0x51: {  	_ =	shalt  }
0x52: {  	_ =	shalt  }
0x53: {  	_ =	shalt  }
0x54: {  	_ =	shalt  }
0x55: {  	_ =	shalt  }
0x56: {  	_ =	shalt  }
0x57: {  	_ =	shalt  }
0x58: {  	_ =	shalt  }
0x59: {  	_ =	shalt  }
0x5a: {  	_ =	shalt  }
0x5b: {  	_ =	shalt  }
0x5c: {  	_ =	shalt  }
0x5d: {  	_ =	shalt  }
0x5e: {  	_ =	shalt  }
0x5f: {  	_ =	shalt  }
0x60: {  	_ =	shalt  }
0x61: {  	_ =	shalt  }
0x62: {  	_ =	shalt  }
0x63: {  	_ =	shalt  }
0x64: {  	_ =	shalt  }
0x65: {  	_ =	shalt  }
0x66: {  	_ =	shalt  }
0x67: {  	_ =	shalt  }
0x68: {  	_ =	shalt  }
0x69: {  	_ =	shalt  }
0x6a: {  	_ =	shalt  }
0x6b: {  	_ =	shalt  }
0x6c: {  	_ =	shalt  }
0x6d: {  	_ =	shalt  }
0x6e: {  	_ =	shalt  }
0x6f: {  	_ =	shalt  }
0x70: {  	_ =	shalt  }
0x71: {  	_ =	shalt  }
0x72: {  	_ =	shalt  }
0x73: {  	_ =	shalt  }
0x74: {  	_ =	shalt  }
0x75: {  	_ =	shalt  }
0x76: {  	_ =	shalt  }
0x77: {  	_ =	shalt  }
0x78: {  	_ =	shalt  }
0x79: {  	_ =	shalt  }
0x7a: {  	_ =	shalt  }
0x7b: {  	_ =	shalt  }
0x7c: {  	_ =	shalt  }
0x7d: {  	_ =	shalt  }
0x7e: {  	_ =	shalt  }
0x7f: {  	_ =	shalt  }
0x80: {  	_ =	shalt  }
0x81: {  	_ =	shalt  }
0x82: {  	_ =	shalt  }
0x83: {  	_ =	shalt  }
0x84: {  	_ =	shalt  }
0x85: {  	_ =	shalt  }
0x86: {  	_ =	shalt  }
0x87: {  	_ =	shalt  }
.Lfunc_end0:
.L_simem_size_0:
called_computation_lowered:
.L_overlay_start_0:
0x88: {  	s2 =	sld [smem:$0x3FD9]  }
0x89: {  	s3 =	sld [smem:$0x3FFE];
	_ =	sdelay $0x1  }
0x8a: {  	s1 =	srdreg.scid  }
0x8b: {  	s0 =	sand.u32 $0x1, s1  }
0x8c: {  	s17 =	sshll.u32 s0, $0xA;
	s2 =	sadd.s32 s3, s2  }
0x8d: {  	s2 =	sadd.s32 s2, s17  }
0x8e: {  	[smem:$0x3FC0] =	sst s2  }
0x8f: {  	_ = 	snop  }
0x90: {  	s2 =	sld [smem:$0x3FD0];
	(tm) =	ssettm $0x1  }
0x91: {  	s18 =	sld [smem:$0x3FFB];
	_ =	sdelay $0x3  }
0x92: {  	_ =	strace s18  }
0x93: {  	s3 =	sld [smem:$0x3FFC];
	_ =	sdelay $0x3  }
0x94: {  	_ =	strace s3  }
0x95: {  	s3 =	sld [smem:$0x3FFD];
	_ =	sdelay $0x3  }
0x96: {  	_ =	strace s3  }
0x97: {  	_ =	strace $0x8FFFFFFF  }
0x98: {  	s19 =	sld [smem:$0x3FDB];
	_ =	sdelay $0x1  }
0x99: {  	s4 =	simm.s32 $_scs_section_size  }
0x9a: {  	s5 =	simm.s32 $_size__tile_overlayer_lowered;
	s6 =	simm.s32 $_tile_overlayer_lowered  }
0x9b: {  	s22 =	simm.s32 $0x1BFF;
	s21 =	sshll.u32 s6, $0x1;
	s3 =	sadd.s32 s4, s19  }
0x9c: {  	s7 =	simm.s32 $0x0;
	s20 =	sshll.u32 s5, $0x1;
	s5 =	sadd.s32 s21, s3  }
0x9d: {  	[timem:s7], [sflag:s22] =	dma.local [hbm:s5], s20  }
0x9e: {  	_ =	swait.ge [sflag:s22], s20  }
0x9f: {  	s4 =	ssub.s32 $0x0, s20;
	[sflag:s22] =	ssyncset.done $0x0  }
0xa0: {  	[sflag:s22] =	ssyncadd.s32 s4;
	_ =	sdelay $0x1  }
0xa1: {  	s23 =	simm.s32 $0x1B8B  }
0xa2: {  	_ =	swait.ge [sflag:s23], $0x1  }
0xa3: {  	[sflag:s23] =	ssyncset.done $0x0  }
0xa4: {  	s25 =	simm.s32 $0x1B8E;
	s24 =	sld [smem:$0x3FFE];
	[sflag:s23] =	ssyncadd.s32 $0xFFFFFFFF  }
0xa5: {  	s26 =	simm.s32 $execute0_lowered;
	[smem:$0x3FD2] =	sst s25  }
0xa6: {  	s5 =	sshll.u32 s26, $0x1;
	_ =	strace $0x80000046;
	[dreg:$0x1] =	wrdreg $0xFFFFFFFF  }
0xa7: {  	s28 =	simm.s32 $_size_execute0_lowered;
	s3 =	sadd.s32 s3, s5;
	[dreg:$0x0] =	wrdreg $0x0  }
0xa8: {  	s5 =	sshll.u32 s28, $0x1;
	[dreg:$0x2] =	wrdreg s3  }
0xa9: {  	[dreg:$0x3] =	wrdreg s5  }
0xaa: {  	[dreg:$0x4] =	wrdreg $0xC0  }
0xab: {  	_ =	task [dreg:s7], $0x5FFFF  }
0xac: {  	[dreg:$0x1] =	wrdreg $0xFFFFFFFF  }
0xad: {  	[dreg:$0x0] =	wrdreg $0x60  }
0xae: {  	[dreg:$0x2] =	wrdreg s24  }
0xaf: {  	[dreg:$0x3] =	wrdreg s2  }
0xb0: {  	[dreg:$0x4] =	wrdreg $0x0  }
0xb1: {  	[dreg:$0x5] =	wrdreg $0x9  }
0xb2: {  	_ =	task.clear_ibuf [dreg:s7], $0x6FFFF;
	_ =	strace $0x90000046  }
0xb3: {  	s29 =	simm.s32 $0x9;
	_ =	strace $0x80000048  }
0xb4: {  	_ =	swait.ge [sflag:s29], $0x1  }
0xb5: {  	[sflag:s29] =	ssyncadd.s32 $0xFFFFFFFF  }
0xb6: {  	_ =	strace $0x90000048  }
0xb7: {  	_ =	sfence  }
0xb8: {  	s30 =	sld [smem:$0x0];
	_ =	sdelay $0x2  }
0xb9: {  	s31 =	sshll.u32 s1, $0xD;
	s1 =	sshrl.u32 s1, $0x2  }
0xba: {  	s3 =	sand.u32 $0x4000, s31;
	s1 =	sadd.s32 s1, s30  }
0xbb: {  	s0 =	sor.u32 s3, s0;
	s1 =	sshll.u32 s1, $0x11  }
0xbc: {  	s0 =	sor.u32 s1, s0  }
0xbd: {  	s0 =	sadd.s32 $0x8F2B, s0  }
0xbe: {  	[sflag:s0] =	ssyncadd.remote.s32 $0x1  }
0xbf: {  	_ =	sfence.sel $0xFFFF  }
0xc0: {  	[dreg:$0x0] =	wrdreg $0xFFFFFFFF;
	(pc) =	sbr.abs _section_cstart, $3  }
0xc1: {  	[dreg:$0x1] =	wrdreg $0xFFFFFFFF  }
0xc2: {  	_ =	task.clear_ibuf [dreg:s7], $0x2FFFF;
	_ =	strace $0x9FFFFFFF  }
0xc3: {  	(tm) =	ssettm $0x7FFFFFFF  }
tec
execute0_lowered:
.L_overlay_start_1:
0x0: {  	(tag) =	ssettag $0x1  }
0x1: {  	s5 =	rddreg [dreg:$0x0]  }
0x2: {  	s2 =	rddreg [dreg:$0x1]  }
0x3: {  	s0 =	srdreg.scid;
	s3 =	rddreg [dreg:$0x2]  }
0x4: {  	s1 =	rddreg [dreg:$0x3];
	s6 =	sand.u32 $0x1, s0  }
0x5: {  	s4 =	simm.s32 $0x0;
	s0 =	stileid.u32;
	s7 =	smul.u32 $0x500, s6  }
0x6: {  	s13 =	simm.s32 $0x69000;
	s14 =	simm.s32 $0x18000;
	s8 =	smul.u32 $0x50, s0  }
0x7: {  	s15 =	simm.s32 $0x80;
	[smem:$0x7FF] =	sst s4;
	s26 =	smul.u32 $0x2800, s0  }
0x8: {  	s16 =	simm.s32 $0x0;
	s9 =	smul.u32 $0x50000, s0;
	_ =	strace $0x80000047  }
0x9: {  	s28 =	ssub.s32 $0x2, s6;
	s31 =	sshll.u32 s0, $0x6;
	p0 =	seq.s32 s6, $0x1  }
0xa: {  	s29 =	sshrl.u32 s28, $0x1;
	s6 =	sor.u32 $0x1C01, s31;
	s7 =	sadd.s32 s8, s7  }
0xb: {  	s13 =	simm.s32 @!p0 $0x41000;
	s11 =	sadd.s32 s26, s5;
	s7 =	sshll.u32 s7, $0x4  }
0xc: {  	s30 =	sshrl.u32 s9, $0x2;
	s10 =	sadd.s32 s7, s5;
	s7 =	ssub.s32 s28, s29  }
0xd: {  	s12 =	sadd.s32 s30, s3;
	s5 =	sadd.s32 $0x19000, s11;
	s7 =	smax.u32 s7, $0x1  }
0xe: {  	s8 =	sadd.s32 $0x5000, s10;
	s9 =	sadd.s32 $0x5280, s10;
	s10 =	sadd.s32 s13, s11  }
0xf: {  	s11 =	sshrl.u32 s12, $0x3;
	s12 =	simm.s32 $0x1;
	s13 =	simm.s32 $0x14000  }
.LBB2_1:
0x10: {  	[spmem:s11], [sflag:s6] =	dma.local [hbm:s5], $0x2800  }
0x11: {  	_ =	swait.ge [sflag:s12], $0x2800  }
0x12: {  	[sflag:s12] =	ssyncset.done $0x0  }
0x13: {  	[sflag:s12] =	ssyncadd.s32 $0xFFFFD800  }
0x14: {  	[tilespmem:s13], [sflag:$0x1] =	stream.linear.gather [hbm4b:s2+s4], $0x4000, $0x38;
	[tilespmem:$0x19400] =	vst v63  }
0x15: {  	_ =	swait.ge [sflag:s12], $0x4000  }
0x16: {  	[sflag:s12] =	ssyncset.done $0x0  }
0x17: {  	[sflag:s12] =	ssyncadd.s32 $0xFFFFC000  }
0x18: {  	[bflag:$0x0] =	sbarrier.arrive $0xFFFF  }
0x19: {  	[tilespmem:s14], [sflag:$0x1] =	stream.linear.gather [hbm4b:s8+s4], $0x1400, $0x38;
	[tilespmem:$0x19400] =	vst v63  }
0x1a: {  	_ =	swait.ge [sflag:s12], $0x1400  }
0x1b: {  	[sflag:s12] =	ssyncset.done $0x0  }
0x1c: {  	s17 =	simm.s32 $0x18000;
	[sflag:s12] =	ssyncadd.s32 $0xFFFFEC00  }
0x1d: {  	[spmem:s3] =	stream.indirect.scatter.add.f32 [tilespmem:s13], [sflag:$0x1], $0x80, s17, s15, $0xb8;
	[tilespmem:$0x19400] =	vst v63  }
0x1e: {  	s17 =	simm.s32 $0x200;
	_ =	swait.ge [sflag:s12], $0x4000  }
.LBB2_2:
0x1f: {  	s18 =	sshra.s32 s17, $0x2;
	[sflag:s12] =	ssyncset.done $0x0;
	p0 =	sne.s32 s17, $0x4E00  }
.Ltmp0:
0x20: {  	s18 =	sadd.s32 $0x18000, s18;
	[sflag:s12] =	ssyncadd.s32 $0xFFFFC000;
	(pc) =	sbr.rel @p0 .LBB2_2-.Ltmp0, $3  }
0x21: {  	[spmem:s3] =	stream.indirect.scatter.add.f32 [tilespmem:s13], [sflag:$0x1], $0x80, s18, s15, $0xb8;
	[tilespmem:$0x19400] =	vst v63  }
0x22: {  	s17 =	sadd.s32 $0x200, s17;
	_ =	sdelay $0x1  }
0x23: {  	_ =	swait.ge [sflag:s12], $0x4000  }
0x24: {  	[sflag:s12] =	ssyncset.done $0x0  }
0x25: {  	s17 =	simm.s32 $0x0;
	[sflag:s12] =	ssyncadd.s32 $0xFFFFC000  }
0x26: {  	[tilespmem:s14], [sflag:$0x1] =	stream.linear.gather [hbm4b:s9+s17], $0x1400, $0x38;
	[tilespmem:$0x19400] =	vst v63  }
0x27: {  	_ =	swait.ge [sflag:s12], $0x1400  }
0x28: {  	[sflag:s12] =	ssyncset.done $0x0  }
0x29: {  	s31 =	simm.s32 $0x18000;
	[sflag:s12] =	ssyncadd.s32 $0xFFFFEC00  }
0x2a: {  	[spmem:s3] =	stream.indirect.scatter.add.f32 [tilespmem:s13], [sflag:$0x1], $0x80, s31, s15, $0xb8;
	[tilespmem:$0x19400] =	vst v63  }
0x2b: {  	s17 =	simm.s32 $0x200;
	_ =	swait.ge [sflag:s12], $0x4000  }
.LBB2_4:
0x2c: {  	s18 =	sshra.s32 s17, $0x2;
	[sflag:s12] =	ssyncset.done $0x0;
	p0 =	sne.s32 s17, $0x4E00  }
.Ltmp1:
0x2d: {  	s18 =	sadd.s32 $0x18000, s18;
	[sflag:s12] =	ssyncadd.s32 $0xFFFFC000;
	(pc) =	sbr.rel @p0 .LBB2_4-.Ltmp1, $3  }
0x2e: {  	[spmem:s3] =	stream.indirect.scatter.add.f32 [tilespmem:s13], [sflag:$0x1], $0x80, s18, s15, $0xb8;
	[tilespmem:$0x19400] =	vst v63  }
0x2f: {  	s17 =	sadd.s32 $0x200, s17;
	_ =	sdelay $0x1  }
0x30: {  	_ =	swait.ge [sflag:s12], $0x4000  }
0x31: {  	[sflag:s12] =	ssyncset.done $0x0;
	s16 =	sadd.s32 $0x1, s16  }
0x32: {  	[sflag:s12] =	ssyncadd.s32 $0xFFFFC000;
	p0 =	sne.s32 s16, s7  }
.Ltmp2:
0x33: {  	[bflag:$0x0] =	sbarrier.arrive $0xFFFF;
	(pc) =	sbr.rel @p0 .LBB2_1-.Ltmp2, $4  }
0x34: {  	[hbm:s10], [sflag:s6] =	dma.local [spmem:s11], $0x2800  }
0x35: {  	_ =	swait.ge [sflag:s12], $0x2800  }
0x36: {  	[sflag:s12] =	ssyncset.done $0x0  }
0x37: {  	[sflag:s12] =	ssyncadd.s32 $0xFFFFD800  }
0x38: {  	_ =	sfence.sel $0x180000  }
0x39: {  	[bflag:$0x0] =	sbarrier.arrive $0xFFFF  }
0x3a: {  	p0 =	sne.s32 s0, $0x0;
	_ =	strace $0x90000047  }
0x3b: {  	s0 =	sadd.s32 @!p0 $0x100000, s1;
	[bflag:$0x2] =	sbarrier.arrive $0xFFFF  }
0x3c: {  	[sflag:s0] =	ssyncadd.tile.s32 @!p0 $0x1;
	_ =	shalt  }
.Lfunc_end2:
_tile_overlayer_lowered:
.L_overlay_start_2:
0x3d: {  	(tag) =	ssettag $0x2  }
0x3e: {  	s0 =	rddreg [dreg:$0x0];
	s2 =	stileid.u32  }
0x3f: {  	s1 =	rddreg [dreg:$0x1];
	p0 =	sne.s32 s2, $0x0  }
0x40: {  	s3 =	rddreg [dreg:$0x2];
	[bflag:$0x3] =	sbarrier.arrive $0xFFFF;
	s2 =	simm.s32 @!p0 $0x1C01  }
0x41: {  	[timem:s3], [sflag:s2] =	dma.local @!p0 [hbm:s0], s1  }
0x42: {  	s0 =	simm.s32 @!p0 $0x1  }
0x43: {  	_ =	swait.ge @!p0 [sflag:s0], s1  }
0x44: {  	s1 =	ssub.s32 @!p0 $0x0, s1;
	[sflag:s0] =	ssyncset.done @!p0 $0x0  }
0x45: {  	[sflag:s0] =	ssyncadd.s32 @!p0 s1  }
0x46: {  	[bflag:$0x3] =	sbarrier.arrive $0xFFFF  }
0x47: {  	_ =	shalt  }

</sc_bundles>
